<compile_context>
chip_gen: v7x
topology: tpu7x:2x2x1
jax: 0.10.2.dev20260603
libtpu: 0.0.44.dev20260713+nightly
codegen_flags: <defaults>
</compile_context>

<pallas_src>
import jax
import jax.numpy as jnp
from jax import lax
from jax.experimental import pallas as pl
from jax.experimental.pallas import tpu as pltpu
from jax.experimental.pallas import tpu_sc as plsc

H = 128
W = 128
SY = 4
SX = 4
N = H * W
C = 256
ND = (H // SY) * (W // SX)
NDP = 1152
R_MERGE = min(N // 2, N - ND)
BN = 4096
NB = N // BN
NSC = 2
NTILE = 16
TOK_TILE = N // NTILE


def _scores_body(xb_ref, xd_ref, sc_ref, gi_ref, nm_s, ni_s):
    nb = pl.program_id(1)
    xb = xb_ref[0]
    xd = xd_ref[0]
    mb = xb / (jnp.sqrt(jnp.sum(xb * xb, axis=1, keepdims=True)) + 1e-6)
    md = xd / (jnp.sqrt(jnp.sum(xd * xd, axis=1, keepdims=True)) + 1e-6)
    s = lax.dot_general(md, mb, (((1,), (1,)), ((), ())))
    nmax = jnp.max(s, axis=0)
    nidx = jnp.argmax(s, axis=0)
    nm_s[pl.ds(nb * (BN // W), BN // W), :] = nmax.reshape(BN // W, W)
    ni_s[pl.ds(nb * (BN // W), BN // W), :] = nidx.astype(jnp.int32).reshape(
        BN // W, W)

    @pl.when(nb == NB - 1)
    def _():
        _select(nm_s[...], ni_s[...], sc_ref, gi_ref)


def _select(nm, ni, sc_ref, gi_ref):
    b = pl.program_id(0)
    ri = lax.broadcasted_iota(jnp.int32, (H, W), 0)
    ci = lax.broadcasted_iota(jnp.int32, (H, W), 1)
    is_dst = ((ri % SY) == 0) & ((ci % SX) == 0)
    bits = lax.bitcast_convert_type(nm, jnp.int32)
    v = bits ^ (lax.shift_right_arithmetic(bits, 31) & jnp.int32(0x7FFFFFFF))
    min32 = jnp.int32(-2147483648)
    v = jnp.where(is_dst, min32, v)
    r = jnp.int32(R_MERGE)
    cnt_pos = jnp.sum((v >= 0).astype(jnp.int32))
    bucket_pos = cnt_pos >= r
    in_bucket = ((v >= 0) == bucket_pos) & jnp.logical_not(is_dst)
    key = jnp.where(in_bucket, v & jnp.int32(0x7FFFFFFF), jnp.int32(-1))
    rr = jnp.where(bucket_pos, r, r - cnt_pos)

    def body(k, prefix):
        cand = prefix | lax.shift_left(jnp.int32(1), jnp.int32(30) - k)
        cnt = jnp.sum((key >= cand).astype(jnp.int32))
        return jnp.where(cnt >= rr, cand, prefix)

    t = lax.fori_loop(0, 31, body, jnp.int32(0))
    tv = jnp.where(bucket_pos, t, t | min32)
    not_dst = jnp.logical_not(is_dst)
    gt = (v > tv) & not_dst
    eq = (v == tv) & not_dst
    cnt_gt = jnp.sum(gt.astype(jnp.int32))
    need = (r - cnt_gt).astype(jnp.float32)
    e = eq.astype(jnp.float32)
    tri_incl = (ri <= ci).astype(jnp.float32)
    incl = lax.dot_general(e, tri_incl, (((1,), (0,)), ((), ())),
                           precision=lax.Precision.HIGHEST)
    row_tot = incl[:, W - 1:W]
    tri_strict = (ri > ci).astype(jnp.float32)
    off = lax.dot_general(tri_strict, row_tot, (((1,), (0,)), ((), ())),
                          precision=lax.Precision.HIGHEST)
    rank_excl = incl - e + off
    merged = gt | (eq & (rank_excl < need))
    dbin = (ri // SY) * (W // SX) + (ci // SX)
    sc_ref[0] = jnp.where(is_dst, dbin, jnp.where(merged, ni, jnp.int32(ND)))
    g = jnp.where(is_dst, dbin, jnp.where(merged, ni, jnp.int32(-1)))
    sel = g >= 0
    t = ri * W + ci
    gi_ref[0] = jnp.where(sel, b * NDP + g,
                          jnp.int32(NSC * NDP) + b * N + t)


def _scatter_body(xb_ref, si_ref, dm_ref, acc_ref, cnt_ref):
    nb = pl.program_id(1)

    @pl.when(nb == 0)
    def _():
        acc_ref[...] = jnp.zeros_like(acc_ref)
        cnt_ref[...] = jnp.zeros_like(cnt_ref)

    xb = xb_ref[0]
    si = jnp.broadcast_to(si_ref[0], (ND, BN))
    iota = lax.broadcasted_iota(jnp.int32, (ND, BN), 0)
    oht = (si == iota).astype(jnp.float32)
    acc_ref[pl.ds(0, ND), :] += lax.dot_general(
        oht, xb, (((1,), (0,)), ((), ())))
    cnt_ref[pl.ds(0, ND), :] += lax.dot_general(
        oht.astype(jnp.bfloat16), jnp.ones((BN, 128), jnp.bfloat16),
        (((1,), (0,)), ((), ())), preferred_element_type=jnp.float32)

    @pl.when(nb == NB - 1)
    def _():
        dm_ref[0] = acc_ref[...] / jnp.maximum(cnt_ref[:, 0:1], 1.0)


def _sc_unmerge_body(gi_hbm, tab_hbm, out_hbm,
                     gb0, gb1, gixbuf, gs0, gs1, ws0, ws1):
    c = lax.axis_index("c")
    s = lax.axis_index("s")
    pltpu.sync_copy(gi_hbm.at[c, pl.ds(s * 8, 8)], gixbuf)

    base = s * TOK_TILE
    gb = (gb0, gb1)
    gsem = (gs0, gs1)
    wsem = (ws0, ws1)
    gld = [None, None]
    wr = [None, None]
    gld[0] = pltpu.async_copy(tab_hbm.at[gixbuf.at[0]], gb0, gs0)
    for k in range(8):
        cur = k % 2
        if k < 7:
            if wr[1 - cur] is not None:
                wr[1 - cur].wait()
            gld[1 - cur] = pltpu.async_copy(
                tab_hbm.at[gixbuf.at[k + 1]], gb[1 - cur], gsem[1 - cur])
        gld[cur].wait()
        wr[cur] = pltpu.async_copy(
            gb[cur], out_hbm.at[c, pl.ds(base + k * 128, 128)], wsem[cur])
    wr[0].wait()
    wr[1].wait()


_sc_unmerge = pl.kernel(
    _sc_unmerge_body,
    out_type=jax.ShapeDtypeStruct((NSC, N, C), jnp.float32),
    mesh=plsc.VectorSubcoreMesh(core_axis_name="c", subcore_axis_name="s"),
    scratch_types=[
        pltpu.VMEM((128, C), jnp.float32),
        pltpu.VMEM((128, C), jnp.float32),
        pltpu.VMEM((8, 128), jnp.int32),
        pltpu.SemaphoreType.DMA,
        pltpu.SemaphoreType.DMA,
        pltpu.SemaphoreType.DMA,
        pltpu.SemaphoreType.DMA,
    ],
)


def kernel(x):
    B = x.shape[0]
    x_dst = x.reshape(B, H // SY, SY, W // SX, SX, C)[:, :, 0, :, 0, :]
    x_dst = x_dst.reshape(B, ND, C)

    scat, gath = pl.pallas_call(
        _scores_body,
        grid=(B, NB),
        in_specs=[
            pl.BlockSpec((1, BN, C), lambda b, nb: (b, nb, 0)),
            pl.BlockSpec((1, ND, C), lambda b, nb: (b, 0, 0)),
        ],
        out_specs=[
            pl.BlockSpec((1, H, W), lambda b, nb: (b, 0, 0)),
            pl.BlockSpec((1, H, W), lambda b, nb: (b, 0, 0)),
        ],
        out_shape=[
            jax.ShapeDtypeStruct((B, H, W), jnp.int32),
            jax.ShapeDtypeStruct((B, H, W), jnp.int32),
        ],
        scratch_shapes=[
            pltpu.VMEM((H, W), jnp.float32),
            pltpu.VMEM((H, W), jnp.int32),
        ],
    )(x, x_dst)

    dm = pl.pallas_call(
        _scatter_body,
        grid=(B, NB),
        in_specs=[
            pl.BlockSpec((1, BN, C), lambda b, nb: (b, nb, 0)),
            pl.BlockSpec((1, 1, BN), lambda b, nb: (b * NB + nb, 0, 0)),
        ],
        out_specs=pl.BlockSpec((1, NDP, C), lambda b, nb: (b, 0, 0)),
        out_shape=jax.ShapeDtypeStruct((B, NDP, C), jnp.float32),
        scratch_shapes=[
            pltpu.VMEM((NDP, C), jnp.float32),
            pltpu.VMEM((NDP, 128), jnp.float32),
        ],
    )(x, scat.reshape(B * NB, 1, BN))

    tab = jnp.concatenate([dm.reshape(B * NDP, C), x.reshape(B * N, C)], 0)
    return _sc_unmerge(gath, tab)

# --- scband reference (transcript-rebuilt; emitter-appended) ---
"""Pipeline reference for scband-to-me-block-52278341927303 (READ-ONLY COPY).

The authoritative reference and input builder live on the scoring server;
editing this copy changes nothing except your own understanding.
"""

import jax, jax.numpy as jnp
import numpy as np

H, W = 128, 128
SY, SX = 4, 4
RATIO = 0.5


def _build_partition(h, w, sy, sx):
    # Deterministic (no_rand) ToMe 2D bipartite partition: one dst token per sy*sx block
    hsy, wsx = h // sy, w // sx
    buf = np.zeros((hsy, wsx, sy * sx), dtype=np.int64)
    buf[:, :, 0] = -1  # rand_idx = 0 when no_rand
    buf = buf.reshape(hsy, wsx, sy, sx).transpose(0, 2, 1, 3).reshape(h * w)
    order = np.argsort(buf, kind='stable')  # dst (-1) sorted first
    num_dst = hsy * wsx
    return order[:num_dst].copy(), order[num_dst:].copy()


def setup_inputs(seed: int = 0) -> dict:
    key = jax.random.key(seed)
    x = jax.random.normal(key, (2, H * W, 256), dtype=jnp.float32)
    return {"x": x}


def _tome_forward(x):
    B, N, C = x.shape
    r = int(N * RATIO)
    b_np, a_np = _build_partition(H, W, SY, SX)
    b_idx = jnp.asarray(b_np)
    a_idx = jnp.asarray(a_np)
    num_dst = b_idx.shape[0]
    r = min(r, a_idx.shape[0])

    # cosine-similarity metric
    metric = x / (jnp.linalg.norm(x, axis=-1, keepdims=True) + 1e-6)
    a = metric[:, a_idx]                       # [B, n_src, C]
    b = metric[:, b_idx]                       # [B, num_dst, C]
    scores = jnp.einsum('bnc,bmc->bnm', a, b)  # [B, n_src, num_dst]

    node_max = jnp.max(scores, axis=-1)        # best-match score per src
    node_idx = jnp.argmax(scores, axis=-1)     # best dst per src
    edge_idx = jnp.argsort(-node_max, axis=-1) # descending: top-r most similar get merged
    src_idx = edge_idx[:, :r]                  # merged src
    unm_idx = edge_idx[:, r:]                  # unmerged src
    dst_idx = jnp.take_along_axis(node_idx, src_idx, axis=-1)  # [B, r]

    # merge(x, mode='mean')
    src_tok = x[:, a_idx]
    dst_tok = x[:, b_idx]
    unm = jnp.take_along_axis(src_tok, unm_idx[:, :, None], axis=1)
    sel = jnp.take_along_axis(src_tok, src_idx[:, :, None], axis=1)
    bb = jnp.arange(B)[:, None]
    dst_sum = dst_tok.at[bb, dst_idx].add(sel)
    counts = jnp.ones((B, num_dst, 1), x.dtype).at[bb, dst_idx].add(1.0)
    dst_mean = dst_sum / counts
    merged = jnp.concatenate([unm, dst_mean], axis=1)  # [B, N - r, C]

    # unmerge(merged)
    unm_len = unm.shape[1]
    u_unm = merged[:, :unm_len]
    u_dst = merged[:, unm_len:]
    src_back = jnp.take_along_axis(u_dst, dst_idx[:, :, None], axis=1)
    out = jnp.zeros_like(x)
    out = out.at[:, b_idx].set(u_dst)
    out = out.at[bb, jnp.take(a_idx, unm_idx)].set(u_unm)
    out = out.at[bb, jnp.take(a_idx, src_idx)].set(src_back)
    return out


def reference(x):
    return _tome_forward(x)

if __name__ == "__main__":
    import jax
    _d = setup_inputs()
    print(jax.jit(kernel)(*tuple(_d.values())))

</pallas_src>

<mosaic_0001>
#map = affine_map<(d0, d1) -> (0, 0, 0)>
#map1 = affine_map<(d0, d1) -> (0, 0)>
module attributes {stable_mosaic.version = 14 : i64} {
  func.func @_sc_unmerge_body(%arg0: i32, %arg1: i32, %arg2: memref<2x128x128xi32, #tpu.memory_space<hbm>>, %arg3: memref<35072x256xf32, #tpu.memory_space<hbm>>, %arg4: memref<2x16384x256xf32, #tpu.memory_space<hbm>>, %arg5: memref<128x256xf32, #tpu.memory_space<vmem>>, %arg6: memref<128x256xf32, #tpu.memory_space<vmem>>, %arg7: memref<8x128xi32, #tpu.memory_space<vmem>>, %arg8: memref<!tpu.dma_semaphore, #tpu.memory_space<semaphore_mem>>, %arg9: memref<!tpu.dma_semaphore, #tpu.memory_space<semaphore_mem>>, %arg10: memref<!tpu.dma_semaphore, #tpu.memory_space<semaphore_mem>>, %arg11: memref<!tpu.dma_semaphore, #tpu.memory_space<semaphore_mem>>) attributes {dimension_semantics = [#tpu.dimension_semantics<core_parallel>, #tpu.dimension_semantics<subcore_parallel>], iteration_bounds = array<i64: 2, 16>, scalar_prefetch = 0 : i64, scratch_operands = 7 : i64, tpu.core_type = #tpu.core_type<sc_vector_subcore>, window_params = [{transform_indices = #map}, {transform_indices = #map1}, {transform_indices = #map}]} {
    %mul3A = arith.constant 8 : i32
    %mul3A_0 = arith.muli %arg1, %mul3A : i32
    "tpu.region"() ({
      %run_scoped3A = tpu.sem_alloc : memref<!tpu.dma_semaphore, #tpu.memory_space<semaphore_mem>>
      %dma_start3A_224 = arith.constant 0 : i32
      %dma_start3A_225 = tpu.memref_slice %arg2[%arg0, %mul3A_0, %dma_start3A_224] : memref<2x128x128xi32, #tpu.memory_space<hbm>> -> memref<1x8x128xi32, #tpu.memory_space<hbm>>
      %dma_start3A_226 = tpu.memref_squeeze %dma_start3A_225 : memref<1x8x128xi32, #tpu.memory_space<hbm>> -> memref<8x128xi32, #tpu.memory_space<hbm>>
      %dma_start3A_227 = arith.constant 0 : i32
      %dma_start3A_228 = tpu.memref_slice %arg2[%arg0, %mul3A_0, %dma_start3A_227] : memref<2x128x128xi32, #tpu.memory_space<hbm>> -> memref<1x8x128xi32, #tpu.memory_space<hbm>>
      %dma_start3A_229 = tpu.memref_squeeze %dma_start3A_228 : memref<1x8x128xi32, #tpu.memory_space<hbm>> -> memref<8x128xi32, #tpu.memory_space<hbm>>
      tpu.enqueue_dma source(%dma_start3A_229 : memref<8x128xi32, #tpu.memory_space<hbm>>) target(%arg7 : memref<8x128xi32, #tpu.memory_space<vmem>>) target_semaphore(%run_scoped3A : memref<!tpu.dma_semaphore, #tpu.memory_space<semaphore_mem>>)
      %dma_wait3A_230 = arith.constant 0 : i32
      %dma_wait3A_231 = tpu.memref_slice %arg2[%arg0, %mul3A_0, %dma_wait3A_230] : memref<2x128x128xi32, #tpu.memory_space<hbm>> -> memref<1x8x128xi32, #tpu.memory_space<hbm>>
      %dma_wait3A_232 = tpu.memref_squeeze %dma_wait3A_231 : memref<1x8x128xi32, #tpu.memory_space<hbm>> -> memref<8x128xi32, #tpu.memory_space<hbm>>
      %dma_wait3A_233 = arith.constant 0 : i32
      %dma_wait3A_234 = tpu.memref_slice %arg2[%arg0, %mul3A_0, %dma_wait3A_233] : memref<2x128x128xi32, #tpu.memory_space<hbm>> -> memref<1x8x128xi32, #tpu.memory_space<hbm>>
      %dma_wait3A_235 = tpu.memref_squeeze %dma_wait3A_234 : memref<1x8x128xi32, #tpu.memory_space<hbm>> -> memref<8x128xi32, #tpu.memory_space<hbm>>
      tpu.wait_dma2 semaphore(%run_scoped3A : memref<!tpu.dma_semaphore, #tpu.memory_space<semaphore_mem>>) src(%dma_wait3A_235 : memref<8x128xi32, #tpu.memory_space<hbm>>) dst(%arg7 : memref<8x128xi32, #tpu.memory_space<vmem>>)
      tpu.yield
    }) : () -> ()
    %mul3A_1 = arith.constant 1024 : i32
    %mul3A_2 = arith.muli %arg1, %mul3A_1 : i32
    %dma_start3A = arith.constant 0 : i32
    %dma_start3A_3 = arith.constant 0 : i32
    %dma_start3A_4 = tpu.memref_slice %arg7[%dma_start3A, %dma_start3A_3] : memref<8x128xi32, #tpu.memory_space<vmem>> -> memref<1x128xi32, #tpu.memory_space<vmem>>
    %dma_start3A_5 = tpu.memref_squeeze %dma_start3A_4 : memref<1x128xi32, #tpu.memory_space<vmem>> -> memref<128xi32, #tpu.memory_space<vmem>>
    %dma_start3A_6 = arith.constant 0 : i32
    %dma_start3A_7 = arith.constant 0 : i32
    %dma_start3A_8 = tpu.memref_slice %arg3[%dma_start3A_6, %dma_start3A_7] : memref<35072x256xf32, #tpu.memory_space<hbm>> -> memref<35072x256xf32, #tpu.memory_space<hbm>>
    tpu.enqueue_indirect_dma source(%dma_start3A_8 : memref<35072x256xf32, #tpu.memory_space<hbm>>) target(%arg5 : memref<128x256xf32, #tpu.memory_space<vmem>>) offsets(%dma_start3A_5 : memref<128xi32, #tpu.memory_space<vmem>>) semaphore(%arg8 : memref<!tpu.dma_semaphore, #tpu.memory_space<semaphore_mem>>)
    %dma_start3A_9 = arith.constant 1 : i32
    %dma_start3A_10 = arith.constant 0 : i32
    %dma_start3A_11 = tpu.memref_slice %arg7[%dma_start3A_9, %dma_start3A_10] : memref<8x128xi32, #tpu.memory_space<vmem>> -> memref<1x128xi32, #tpu.memory_space<vmem>>
    %dma_start3A_12 = tpu.memref_squeeze %dma_start3A_11 : memref<1x128xi32, #tpu.memory_space<vmem>> -> memref<128xi32, #tpu.memory_space<vmem>>
    %dma_start3A_13 = arith.constant 0 : i32
    %dma_start3A_14 = arith.constant 0 : i32
    %dma_start3A_15 = tpu.memref_slice %arg3[%dma_start3A_13, %dma_start3A_14] : memref<35072x256xf32, #tpu.memory_space<hbm>> -> memref<35072x256xf32, #tpu.memory_space<hbm>>
    tpu.enqueue_indirect_dma source(%dma_start3A_15 : memref<35072x256xf32, #tpu.memory_space<hbm>>) target(%arg6 : memref<128x256xf32, #tpu.memory_space<vmem>>) offsets(%dma_start3A_12 : memref<128xi32, #tpu.memory_space<vmem>>) semaphore(%arg9 : memref<!tpu.dma_semaphore, #tpu.memory_space<semaphore_mem>>)
    %dma_wait3A = arith.constant 0 : i32
    %dma_wait3A_16 = arith.constant 0 : i32
    %dma_wait3A_17 = tpu.memref_slice %arg7[%dma_wait3A, %dma_wait3A_16] : memref<8x128xi32, #tpu.memory_space<vmem>> -> memref<1x128xi32, #tpu.memory_space<vmem>>
    %dma_wait3A_18 = tpu.memref_squeeze %dma_wait3A_17 : memref<1x128xi32, #tpu.memory_space<vmem>> -> memref<128xi32, #tpu.memory_space<vmem>>
    %dma_wait3A_19 = arith.constant 0 : i32
    %dma_wait3A_20 = arith.constant 0 : i32
    %dma_wait3A_21 = tpu.memref_slice %arg3[%dma_wait3A_19, %dma_wait3A_20] : memref<35072x256xf32, #tpu.memory_space<hbm>> -> memref<35072x256xf32, #tpu.memory_space<hbm>>
    tpu.wait_indirect_dma semaphore(%arg8 : memref<!tpu.dma_semaphore, #tpu.memory_space<semaphore_mem>>) src(%dma_wait3A_21 : memref<35072x256xf32, #tpu.memory_space<hbm>>) dst(%arg5 : memref<128x256xf32, #tpu.memory_space<vmem>>)
    %add3A = arith.constant 0 : i32
    %add3A_22 = arith.addi %mul3A_2, %add3A : i32
    %dma_start3A_23 = arith.constant 0 : i32
    %dma_start3A_24 = tpu.memref_slice %arg4[%arg0, %add3A_22, %dma_start3A_23] : memref<2x16384x256xf32, #tpu.memory_space<hbm>> -> memref<1x128x256xf32, #tpu.memory_space<hbm>>
    %dma_start3A_25 = tpu.memref_squeeze %dma_start3A_24 : memref<1x128x256xf32, #tpu.memory_space<hbm>> -> memref<128x256xf32, #tpu.memory_space<hbm>>
    %dma_start3A_26 = arith.constant 0 : i32
    %dma_start3A_27 = tpu.memref_slice %arg4[%arg0, %add3A_22, %dma_start3A_26] : memref<2x16384x256xf32, #tpu.memory_space<hbm>> -> memref<1x128x256xf32, #tpu.memory_space<hbm>>
    %dma_start3A_28 = tpu.memref_squeeze %dma_start3A_27 : memref<1x128x256xf32, #tpu.memory_space<hbm>> -> memref<128x256xf32, #tpu.memory_space<hbm>>
    tpu.enqueue_dma source(%arg5 : memref<128x256xf32, #tpu.memory_space<vmem>>) target(%dma_start3A_28 : memref<128x256xf32, #tpu.memory_space<hbm>>) target_semaphore(%arg10 : memref<!tpu.dma_semaphore, #tpu.memory_space<semaphore_mem>>)
    %dma_wait3A_29 = arith.constant 0 : i32
    %dma_wait3A_30 = tpu.memref_slice %arg4[%arg0, %add3A_22, %dma_wait3A_29] : memref<2x16384x256xf32, #tpu.memory_space<hbm>> -> memref<1x128x256xf32, #tpu.memory_space<hbm>>
    %dma_wait3A_31 = tpu.memref_squeeze %dma_wait3A_30 : memref<1x128x256xf32, #tpu.memory_space<hbm>> -> memref<128x256xf32, #tpu.memory_space<hbm>>
    %dma_wait3A_32 = arith.constant 0 : i32
    %dma_wait3A_33 = tpu.memref_slice %arg4[%arg0, %add3A_22, %dma_wait3A_32] : memref<2x16384x256xf32, #tpu.memory_space<hbm>> -> memref<1x128x256xf32, #tpu.memory_space<hbm>>
    %dma_wait3A_34 = tpu.memref_squeeze %dma_wait3A_33 : memref<1x128x256xf32, #tpu.memory_space<hbm>> -> memref<128x256xf32, #tpu.memory_space<hbm>>
    tpu.wait_dma2 semaphore(%arg10 : memref<!tpu.dma_semaphore, #tpu.memory_space<semaphore_mem>>) src(%arg5 : memref<128x256xf32, #tpu.memory_space<vmem>>) dst(%dma_wait3A_34 : memref<128x256xf32, #tpu.memory_space<hbm>>)
    %dma_start3A_35 = arith.constant 2 : i32
    %dma_start3A_36 = arith.constant 0 : i32
    %dma_start3A_37 = tpu.memref_slice %arg7[%dma_start3A_35, %dma_start3A_36] : memref<8x128xi32, #tpu.memory_space<vmem>> -> memref<1x128xi32, #tpu.memory_space<vmem>>
    %dma_start3A_38 = tpu.memref_squeeze %dma_start3A_37 : memref<1x128xi32, #tpu.memory_space<vmem>> -> memref<128xi32, #tpu.memory_space<vmem>>
    %dma_start3A_39 = arith.constant 0 : i32
    %dma_start3A_40 = arith.constant 0 : i32
    %dma_start3A_41 = tpu.memref_slice %arg3[%dma_start3A_39, %dma_start3A_40] : memref<35072x256xf32, #tpu.memory_space<hbm>> -> memref<35072x256xf32, #tpu.memory_space<hbm>>
    tpu.enqueue_indirect_dma source(%dma_start3A_41 : memref<35072x256xf32, #tpu.memory_space<hbm>>) target(%arg5 : memref<128x256xf32, #tpu.memory_space<vmem>>) offsets(%dma_start3A_38 : memref<128xi32, #tpu.memory_space<vmem>>) semaphore(%arg8 : memref<!tpu.dma_semaphore, #tpu.memory_space<semaphore_mem>>)
    %dma_wait3A_42 = arith.constant 1 : i32
    %dma_wait3A_43 = arith.constant 0 : i32
    %dma_wait3A_44 = tpu.memref_slice %arg7[%dma_wait3A_42, %dma_wait3A_43] : memref<8x128xi32, #tpu.memory_space<vmem>> -> memref<1x128xi32, #tpu.memory_space<vmem>>
    %dma_wait3A_45 = tpu.memref_squeeze %dma_wait3A_44 : memref<1x128xi32, #tpu.memory_space<vmem>> -> memref<128xi32, #tpu.memory_space<vmem>>
    %dma_wait3A_46 = arith.constant 0 : i32
    %dma_wait3A_47 = arith.constant 0 : i32
    %dma_wait3A_48 = tpu.memref_slice %arg3[%dma_wait3A_46, %dma_wait3A_47] : memref<35072x256xf32, #tpu.memory_space<hbm>> -> memref<35072x256xf32, #tpu.memory_space<hbm>>
    tpu.wait_indirect_dma semaphore(%arg9 : memref<!tpu.dma_semaphore, #tpu.memory_space<semaphore_mem>>) src(%dma_wait3A_48 : memref<35072x256xf32, #tpu.memory_space<hbm>>) dst(%arg6 : memref<128x256xf32, #tpu.memory_space<vmem>>)
    %add3A_49 = arith.constant 128 : i32
    %add3A_50 = arith.addi %mul3A_2, %add3A_49 : i32
    %dma_start3A_51 = arith.constant 0 : i32
    %dma_start3A_52 = tpu.memref_slice %arg4[%arg0, %add3A_50, %dma_start3A_51] : memref<2x16384x256xf32, #tpu.memory_space<hbm>> -> memref<1x128x256xf32, #tpu.memory_space<hbm>>
    %dma_start3A_53 = tpu.memref_squeeze %dma_start3A_52 : memref<1x128x256xf32, #tpu.memory_space<hbm>> -> memref<128x256xf32, #tpu.memory_space<hbm>>
    %dma_start3A_54 = arith.constant 0 : i32
    %dma_start3A_55 = tpu.memref_slice %arg4[%arg0, %add3A_50, %dma_start3A_54] : memref<2x16384x256xf32, #tpu.memory_space<hbm>> -> memref<1x128x256xf32, #tpu.memory_space<hbm>>
    %dma_start3A_56 = tpu.memref_squeeze %dma_start3A_55 : memref<1x128x256xf32, #tpu.memory_space<hbm>> -> memref<128x256xf32, #tpu.memory_space<hbm>>
    tpu.enqueue_dma source(%arg6 : memref<128x256xf32, #tpu.memory_space<vmem>>) target(%dma_start3A_56 : memref<128x256xf32, #tpu.memory_space<hbm>>) target_semaphore(%arg11 : memref<!tpu.dma_semaphore, #tpu.memory_space<semaphore_mem>>)
    %dma_wait3A_57 = arith.constant 0 : i32
    %dma_wait3A_58 = tpu.memref_slice %arg4[%arg0, %add3A_50, %dma_wait3A_57] : memref<2x16384x256xf32, #tpu.memory_space<hbm>> -> memref<1x128x256xf32, #tpu.memory_space<hbm>>
    %dma_wait3A_59 = tpu.memref_squeeze %dma_wait3A_58 : memref<1x128x256xf32, #tpu.memory_space<hbm>> -> memref<128x256xf32, #tpu.memory_space<hbm>>
    %dma_wait3A_60 = arith.constant 0 : i32
    %dma_wait3A_61 = tpu.memref_slice %arg4[%arg0, %add3A_50, %dma_wait3A_60] : memref<2x16384x256xf32, #tpu.memory_space<hbm>> -> memref<1x128x256xf32, #tpu.memory_space<hbm>>
    %dma_wait3A_62 = tpu.memref_squeeze %dma_wait3A_61 : memref<1x128x256xf32, #tpu.memory_space<hbm>> -> memref<128x256xf32, #tpu.memory_space<hbm>>
    tpu.wait_dma2 semaphore(%arg11 : memref<!tpu.dma_semaphore, #tpu.memory_space<semaphore_mem>>) src(%arg6 : memref<128x256xf32, #tpu.memory_space<vmem>>) dst(%dma_wait3A_62 : memref<128x256xf32, #tpu.memory_space<hbm>>)
    %dma_start3A_63 = arith.constant 3 : i32
    %dma_start3A_64 = arith.constant 0 : i32
    %dma_start3A_65 = tpu.memref_slice %arg7[%dma_start3A_63, %dma_start3A_64] : memref<8x128xi32, #tpu.memory_space<vmem>> -> memref<1x128xi32, #tpu.memory_space<vmem>>
    %dma_start3A_66 = tpu.memref_squeeze %dma_start3A_65 : memref<1x128xi32, #tpu.memory_space<vmem>> -> memref<128xi32, #tpu.memory_space<vmem>>
    %dma_start3A_67 = arith.constant 0 : i32
    %dma_start3A_68 = arith.constant 0 : i32
    %dma_start3A_69 = tpu.memref_slice %arg3[%dma_start3A_67, %dma_start3A_68] : memref<35072x256xf32, #tpu.memory_space<hbm>> -> memref<35072x256xf32, #tpu.memory_space<hbm>>
    tpu.enqueue_indirect_dma source(%dma_start3A_69 : memref<35072x256xf32, #tpu.memory_space<hbm>>) target(%arg6 : memref<128x256xf32, #tpu.memory_space<vmem>>) offsets(%dma_start3A_66 : memref<128xi32, #tpu.memory_space<vmem>>) semaphore(%arg9 : memref<!tpu.dma_semaphore, #tpu.memory_space<semaphore_mem>>)
    %dma_wait3A_70 = arith.constant 2 : i32
    %dma_wait3A_71 = arith.constant 0 : i32
    %dma_wait3A_72 = tpu.memref_slice %arg7[%dma_wait3A_70, %dma_wait3A_71] : memref<8x128xi32, #tpu.memory_space<vmem>> -> memref<1x128xi32, #tpu.memory_space<vmem>>
    %dma_wait3A_73 = tpu.memref_squeeze %dma_wait3A_72 : memref<1x128xi32, #tpu.memory_space<vmem>> -> memref<128xi32, #tpu.memory_space<vmem>>
    %dma_wait3A_74 = arith.constant 0 : i32
    %dma_wait3A_75 = arith.constant 0 : i32
    %dma_wait3A_76 = tpu.memref_slice %arg3[%dma_wait3A_74, %dma_wait3A_75] : memref<35072x256xf32, #tpu.memory_space<hbm>> -> memref<35072x256xf32, #tpu.memory_space<hbm>>
    tpu.wait_indirect_dma semaphore(%arg8 : memref<!tpu.dma_semaphore, #tpu.memory_space<semaphore_mem>>) src(%dma_wait3A_76 : memref<35072x256xf32, #tpu.memory_space<hbm>>) dst(%arg5 : memref<128x256xf32, #tpu.memory_space<vmem>>)
    %add3A_77 = arith.constant 256 : i32
    %add3A_78 = arith.addi %mul3A_2, %add3A_77 : i32
    %dma_start3A_79 = arith.constant 0 : i32
    %dma_start3A_80 = tpu.memref_slice %arg4[%arg0, %add3A_78, %dma_start3A_79] : memref<2x16384x256xf32, #tpu.memory_space<hbm>> -> memref<1x128x256xf32, #tpu.memory_space<hbm>>
    %dma_start3A_81 = tpu.memref_squeeze %dma_start3A_80 : memref<1x128x256xf32, #tpu.memory_space<hbm>> -> memref<128x256xf32, #tpu.memory_space<hbm>>
    %dma_start3A_82 = arith.constant 0 : i32
    %dma_start3A_83 = tpu.memref_slice %arg4[%arg0, %add3A_78, %dma_start3A_82] : memref<2x16384x256xf32, #tpu.memory_space<hbm>> -> memref<1x128x256xf32, #tpu.memory_space<hbm>>
    %dma_start3A_84 = tpu.memref_squeeze %dma_start3A_83 : memref<1x128x256xf32, #tpu.memory_space<hbm>> -> memref<128x256xf32, #tpu.memory_space<hbm>>
    tpu.enqueue_dma source(%arg5 : memref<128x256xf32, #tpu.memory_space<vmem>>) target(%dma_start3A_84 : memref<128x256xf32, #tpu.memory_space<hbm>>) target_semaphore(%arg10 : memref<!tpu.dma_semaphore, #tpu.memory_space<semaphore_mem>>)
    %dma_wait3A_85 = arith.constant 0 : i32
    %dma_wait3A_86 = tpu.memref_slice %arg4[%arg0, %add3A_78, %dma_wait3A_85] : memref<2x16384x256xf32, #tpu.memory_space<hbm>> -> memref<1x128x256xf32, #tpu.memory_space<hbm>>
    %dma_wait3A_87 = tpu.memref_squeeze %dma_wait3A_86 : memref<1x128x256xf32, #tpu.memory_space<hbm>> -> memref<128x256xf32, #tpu.memory_space<hbm>>
    %dma_wait3A_88 = arith.constant 0 : i32
    %dma_wait3A_89 = tpu.memref_slice %arg4[%arg0, %add3A_78, %dma_wait3A_88] : memref<2x16384x256xf32, #tpu.memory_space<hbm>> -> memref<1x128x256xf32, #tpu.memory_space<hbm>>
    %dma_wait3A_90 = tpu.memref_squeeze %dma_wait3A_89 : memref<1x128x256xf32, #tpu.memory_space<hbm>> -> memref<128x256xf32, #tpu.memory_space<hbm>>
    tpu.wait_dma2 semaphore(%arg10 : memref<!tpu.dma_semaphore, #tpu.memory_space<semaphore_mem>>) src(%arg5 : memref<128x256xf32, #tpu.memory_space<vmem>>) dst(%dma_wait3A_90 : memref<128x256xf32, #tpu.memory_space<hbm>>)
    %dma_start3A_91 = arith.constant 4 : i32
    %dma_start3A_92 = arith.constant 0 : i32
    %dma_start3A_93 = tpu.memref_slice %arg7[%dma_start3A_91, %dma_start3A_92] : memref<8x128xi32, #tpu.memory_space<vmem>> -> memref<1x128xi32, #tpu.memory_space<vmem>>
    %dma_start3A_94 = tpu.memref_squeeze %dma_start3A_93 : memref<1x128xi32, #tpu.memory_space<vmem>> -> memref<128xi32, #tpu.memory_space<vmem>>
    %dma_start3A_95 = arith.constant 0 : i32
    %dma_start3A_96 = arith.constant 0 : i32
    %dma_start3A_97 = tpu.memref_slice %arg3[%dma_start3A_95, %dma_start3A_96] : memref<35072x256xf32, #tpu.memory_space<hbm>> -> memref<35072x256xf32, #tpu.memory_space<hbm>>
    tpu.enqueue_indirect_dma source(%dma_start3A_97 : memref<35072x256xf32, #tpu.memory_space<hbm>>) target(%arg5 : memref<128x256xf32, #tpu.memory_space<vmem>>) offsets(%dma_start3A_94 : memref<128xi32, #tpu.memory_space<vmem>>) semaphore(%arg8 : memref<!tpu.dma_semaphore, #tpu.memory_space<semaphore_mem>>)
    %dma_wait3A_98 = arith.constant 3 : i32
    %dma_wait3A_99 = arith.constant 0 : i32
    %dma_wait3A_100 = tpu.memref_slice %arg7[%dma_wait3A_98, %dma_wait3A_99] : memref<8x128xi32, #tpu.memory_space<vmem>> -> memref<1x128xi32, #tpu.memory_space<vmem>>
    %dma_wait3A_101 = tpu.memref_squeeze %dma_wait3A_100 : memref<1x128xi32, #tpu.memory_space<vmem>> -> memref<128xi32, #tpu.memory_space<vmem>>
    %dma_wait3A_102 = arith.constant 0 : i32
    %dma_wait3A_103 = arith.constant 0 : i32
    %dma_wait3A_104 = tpu.memref_slice %arg3[%dma_wait3A_102, %dma_wait3A_103] : memref<35072x256xf32, #tpu.memory_space<hbm>> -> memref<35072x256xf32, #tpu.memory_space<hbm>>
    tpu.wait_indirect_dma semaphore(%arg9 : memref<!tpu.dma_semaphore, #tpu.memory_space<semaphore_mem>>) src(%dma_wait3A_104 : memref<35072x256xf32, #tpu.memory_space<hbm>>) dst(%arg6 : memref<128x256xf32, #tpu.memory_space<vmem>>)
    %add3A_105 = arith.constant 384 : i32
    %add3A_106 = arith.addi %mul3A_2, %add3A_105 : i32
    %dma_start3A_107 = arith.constant 0 : i32
    %dma_start3A_108 = tpu.memref_slice %arg4[%arg0, %add3A_106, %dma_start3A_107] : memref<2x16384x256xf32, #tpu.memory_space<hbm>> -> memref<1x128x256xf32, #tpu.memory_space<hbm>>
    %dma_start3A_109 = tpu.memref_squeeze %dma_start3A_108 : memref<1x128x256xf32, #tpu.memory_space<hbm>> -> memref<128x256xf32, #tpu.memory_space<hbm>>
    %dma_start3A_110 = arith.constant 0 : i32
    %dma_start3A_111 = tpu.memref_slice %arg4[%arg0, %add3A_106, %dma_start3A_110] : memref<2x16384x256xf32, #tpu.memory_space<hbm>> -> memref<1x128x256xf32, #tpu.memory_space<hbm>>
    %dma_start3A_112 = tpu.memref_squeeze %dma_start3A_111 : memref<1x128x256xf32, #tpu.memory_space<hbm>> -> memref<128x256xf32, #tpu.memory_space<hbm>>
    tpu.enqueue_dma source(%arg6 : memref<128x256xf32, #tpu.memory_space<vmem>>) target(%dma_start3A_112 : memref<128x256xf32, #tpu.memory_space<hbm>>) target_semaphore(%arg11 : memref<!tpu.dma_semaphore, #tpu.memory_space<semaphore_mem>>)
    %dma_wait3A_113 = arith.constant 0 : i32
    %dma_wait3A_114 = tpu.memref_slice %arg4[%arg0, %add3A_106, %dma_wait3A_113] : memref<2x16384x256xf32, #tpu.memory_space<hbm>> -> memref<1x128x256xf32, #tpu.memory_space<hbm>>
    %dma_wait3A_115 = tpu.memref_squeeze %dma_wait3A_114 : memref<1x128x256xf32, #tpu.memory_space<hbm>> -> memref<128x256xf32, #tpu.memory_space<hbm>>
    %dma_wait3A_116 = arith.constant 0 : i32
    %dma_wait3A_117 = tpu.memref_slice %arg4[%arg0, %add3A_106, %dma_wait3A_116] : memref<2x16384x256xf32, #tpu.memory_space<hbm>> -> memref<1x128x256xf32, #tpu.memory_space<hbm>>
    %dma_wait3A_118 = tpu.memref_squeeze %dma_wait3A_117 : memref<1x128x256xf32, #tpu.memory_space<hbm>> -> memref<128x256xf32, #tpu.memory_space<hbm>>
    tpu.wait_dma2 semaphore(%arg11 : memref<!tpu.dma_semaphore, #tpu.memory_space<semaphore_mem>>) src(%arg6 : memref<128x256xf32, #tpu.memory_space<vmem>>) dst(%dma_wait3A_118 : memref<128x256xf32, #tpu.memory_space<hbm>>)
    %dma_start3A_119 = arith.constant 5 : i32
    %dma_start3A_120 = arith.constant 0 : i32
    %dma_start3A_121 = tpu.memref_slice %arg7[%dma_start3A_119, %dma_start3A_120] : memref<8x128xi32, #tpu.memory_space<vmem>> -> memref<1x128xi32, #tpu.memory_space<vmem>>
    %dma_start3A_122 = tpu.memref_squeeze %dma_start3A_121 : memref<1x128xi32, #tpu.memory_space<vmem>> -> memref<128xi32, #tpu.memory_space<vmem>>
    %dma_start3A_123 = arith.constant 0 : i32
    %dma_start3A_124 = arith.constant 0 : i32
    %dma_start3A_125 = tpu.memref_slice %arg3[%dma_start3A_123, %dma_start3A_124] : memref<35072x256xf32, #tpu.memory_space<hbm>> -> memref<35072x256xf32, #tpu.memory_space<hbm>>
    tpu.enqueue_indirect_dma source(%dma_start3A_125 : memref<35072x256xf32, #tpu.memory_space<hbm>>) target(%arg6 : memref<128x256xf32, #tpu.memory_space<vmem>>) offsets(%dma_start3A_122 : memref<128xi32, #tpu.memory_space<vmem>>) semaphore(%arg9 : memref<!tpu.dma_semaphore, #tpu.memory_space<semaphore_mem>>)
    %dma_wait3A_126 = arith.constant 4 : i32
    %dma_wait3A_127 = arith.constant 0 : i32
    %dma_wait3A_128 = tpu.memref_slice %arg7[%dma_wait3A_126, %dma_wait3A_127] : memref<8x128xi32, #tpu.memory_space<vmem>> -> memref<1x128xi32, #tpu.memory_space<vmem>>
    %dma_wait3A_129 = tpu.memref_squeeze %dma_wait3A_128 : memref<1x128xi32, #tpu.memory_space<vmem>> -> memref<128xi32, #tpu.memory_space<vmem>>
    %dma_wait3A_130 = arith.constant 0 : i32
    %dma_wait3A_131 = arith.constant 0 : i32
    %dma_wait3A_132 = tpu.memref_slice %arg3[%dma_wait3A_130, %dma_wait3A_131] : memref<35072x256xf32, #tpu.memory_space<hbm>> -> memref<35072x256xf32, #tpu.memory_space<hbm>>
    tpu.wait_indirect_dma semaphore(%arg8 : memref<!tpu.dma_semaphore, #tpu.memory_space<semaphore_mem>>) src(%dma_wait3A_132 : memref<35072x256xf32, #tpu.memory_space<hbm>>) dst(%arg5 : memref<128x256xf32, #tpu.memory_space<vmem>>)
    %add3A_133 = arith.constant 512 : i32
    %add3A_134 = arith.addi %mul3A_2, %add3A_133 : i32
    %dma_start3A_135 = arith.constant 0 : i32
    %dma_start3A_136 = tpu.memref_slice %arg4[%arg0, %add3A_134, %dma_start3A_135] : memref<2x16384x256xf32, #tpu.memory_space<hbm>> -> memref<1x128x256xf32, #tpu.memory_space<hbm>>
    %dma_start3A_137 = tpu.memref_squeeze %dma_start3A_136 : memref<1x128x256xf32, #tpu.memory_space<hbm>> -> memref<128x256xf32, #tpu.memory_space<hbm>>
    %dma_start3A_138 = arith.constant 0 : i32
    %dma_start3A_139 = tpu.memref_slice %arg4[%arg0, %add3A_134, %dma_start3A_138] : memref<2x16384x256xf32, #tpu.memory_space<hbm>> -> memref<1x128x256xf32, #tpu.memory_space<hbm>>
    %dma_start3A_140 = tpu.memref_squeeze %dma_start3A_139 : memref<1x128x256xf32, #tpu.memory_space<hbm>> -> memref<128x256xf32, #tpu.memory_space<hbm>>
    tpu.enqueue_dma source(%arg5 : memref<128x256xf32, #tpu.memory_space<vmem>>) target(%dma_start3A_140 : memref<128x256xf32, #tpu.memory_space<hbm>>) target_semaphore(%arg10 : memref<!tpu.dma_semaphore, #tpu.memory_space<semaphore_mem>>)
    %dma_wait3A_141 = arith.constant 0 : i32
    %dma_wait3A_142 = tpu.memref_slice %arg4[%arg0, %add3A_134, %dma_wait3A_141] : memref<2x16384x256xf32, #tpu.memory_space<hbm>> -> memref<1x128x256xf32, #tpu.memory_space<hbm>>
    %dma_wait3A_143 = tpu.memref_squeeze %dma_wait3A_142 : memref<1x128x256xf32, #tpu.memory_space<hbm>> -> memref<128x256xf32, #tpu.memory_space<hbm>>
    %dma_wait3A_144 = arith.constant 0 : i32
    %dma_wait3A_145 = tpu.memref_slice %arg4[%arg0, %add3A_134, %dma_wait3A_144] : memref<2x16384x256xf32, #tpu.memory_space<hbm>> -> memref<1x128x256xf32, #tpu.memory_space<hbm>>
    %dma_wait3A_146 = tpu.memref_squeeze %dma_wait3A_145 : memref<1x128x256xf32, #tpu.memory_space<hbm>> -> memref<128x256xf32, #tpu.memory_space<hbm>>
    tpu.wait_dma2 semaphore(%arg10 : memref<!tpu.dma_semaphore, #tpu.memory_space<semaphore_mem>>) src(%arg5 : memref<128x256xf32, #tpu.memory_space<vmem>>) dst(%dma_wait3A_146 : memref<128x256xf32, #tpu.memory_space<hbm>>)
    %dma_start3A_147 = arith.constant 6 : i32
    %dma_start3A_148 = arith.constant 0 : i32
    %dma_start3A_149 = tpu.memref_slice %arg7[%dma_start3A_147, %dma_start3A_148] : memref<8x128xi32, #tpu.memory_space<vmem>> -> memref<1x128xi32, #tpu.memory_space<vmem>>
    %dma_start3A_150 = tpu.memref_squeeze %dma_start3A_149 : memref<1x128xi32, #tpu.memory_space<vmem>> -> memref<128xi32, #tpu.memory_space<vmem>>
    %dma_start3A_151 = arith.constant 0 : i32
    %dma_start3A_152 = arith.constant 0 : i32
    %dma_start3A_153 = tpu.memref_slice %arg3[%dma_start3A_151, %dma_start3A_152] : memref<35072x256xf32, #tpu.memory_space<hbm>> -> memref<35072x256xf32, #tpu.memory_space<hbm>>
    tpu.enqueue_indirect_dma source(%dma_start3A_153 : memref<35072x256xf32, #tpu.memory_space<hbm>>) target(%arg5 : memref<128x256xf32, #tpu.memory_space<vmem>>) offsets(%dma_start3A_150 : memref<128xi32, #tpu.memory_space<vmem>>) semaphore(%arg8 : memref<!tpu.dma_semaphore, #tpu.memory_space<semaphore_mem>>)
    %dma_wait3A_154 = arith.constant 5 : i32
    %dma_wait3A_155 = arith.constant 0 : i32
    %dma_wait3A_156 = tpu.memref_slice %arg7[%dma_wait3A_154, %dma_wait3A_155] : memref<8x128xi32, #tpu.memory_space<vmem>> -> memref<1x128xi32, #tpu.memory_space<vmem>>
    %dma_wait3A_157 = tpu.memref_squeeze %dma_wait3A_156 : memref<1x128xi32, #tpu.memory_space<vmem>> -> memref<128xi32, #tpu.memory_space<vmem>>
    %dma_wait3A_158 = arith.constant 0 : i32
    %dma_wait3A_159 = arith.constant 0 : i32
    %dma_wait3A_160 = tpu.memref_slice %arg3[%dma_wait3A_158, %dma_wait3A_159] : memref<35072x256xf32, #tpu.memory_space<hbm>> -> memref<35072x256xf32, #tpu.memory_space<hbm>>
    tpu.wait_indirect_dma semaphore(%arg9 : memref<!tpu.dma_semaphore, #tpu.memory_space<semaphore_mem>>) src(%dma_wait3A_160 : memref<35072x256xf32, #tpu.memory_space<hbm>>) dst(%arg6 : memref<128x256xf32, #tpu.memory_space<vmem>>)
    %add3A_161 = arith.constant 640 : i32
    %add3A_162 = arith.addi %mul3A_2, %add3A_161 : i32
    %dma_start3A_163 = arith.constant 0 : i32
    %dma_start3A_164 = tpu.memref_slice %arg4[%arg0, %add3A_162, %dma_start3A_163] : memref<2x16384x256xf32, #tpu.memory_space<hbm>> -> memref<1x128x256xf32, #tpu.memory_space<hbm>>
    %dma_start3A_165 = tpu.memref_squeeze %dma_start3A_164 : memref<1x128x256xf32, #tpu.memory_space<hbm>> -> memref<128x256xf32, #tpu.memory_space<hbm>>
    %dma_start3A_166 = arith.constant 0 : i32
    %dma_start3A_167 = tpu.memref_slice %arg4[%arg0, %add3A_162, %dma_start3A_166] : memref<2x16384x256xf32, #tpu.memory_space<hbm>> -> memref<1x128x256xf32, #tpu.memory_space<hbm>>
    %dma_start3A_168 = tpu.memref_squeeze %dma_start3A_167 : memref<1x128x256xf32, #tpu.memory_space<hbm>> -> memref<128x256xf32, #tpu.memory_space<hbm>>
    tpu.enqueue_dma source(%arg6 : memref<128x256xf32, #tpu.memory_space<vmem>>) target(%dma_start3A_168 : memref<128x256xf32, #tpu.memory_space<hbm>>) target_semaphore(%arg11 : memref<!tpu.dma_semaphore, #tpu.memory_space<semaphore_mem>>)
    %dma_wait3A_169 = arith.constant 0 : i32
    %dma_wait3A_170 = tpu.memref_slice %arg4[%arg0, %add3A_162, %dma_wait3A_169] : memref<2x16384x256xf32, #tpu.memory_space<hbm>> -> memref<1x128x256xf32, #tpu.memory_space<hbm>>
    %dma_wait3A_171 = tpu.memref_squeeze %dma_wait3A_170 : memref<1x128x256xf32, #tpu.memory_space<hbm>> -> memref<128x256xf32, #tpu.memory_space<hbm>>
    %dma_wait3A_172 = arith.constant 0 : i32
    %dma_wait3A_173 = tpu.memref_slice %arg4[%arg0, %add3A_162, %dma_wait3A_172] : memref<2x16384x256xf32, #tpu.memory_space<hbm>> -> memref<1x128x256xf32, #tpu.memory_space<hbm>>
    %dma_wait3A_174 = tpu.memref_squeeze %dma_wait3A_173 : memref<1x128x256xf32, #tpu.memory_space<hbm>> -> memref<128x256xf32, #tpu.memory_space<hbm>>
    tpu.wait_dma2 semaphore(%arg11 : memref<!tpu.dma_semaphore, #tpu.memory_space<semaphore_mem>>) src(%arg6 : memref<128x256xf32, #tpu.memory_space<vmem>>) dst(%dma_wait3A_174 : memref<128x256xf32, #tpu.memory_space<hbm>>)
    %dma_start3A_175 = arith.constant 7 : i32
    %dma_start3A_176 = arith.constant 0 : i32
    %dma_start3A_177 = tpu.memref_slice %arg7[%dma_start3A_175, %dma_start3A_176] : memref<8x128xi32, #tpu.memory_space<vmem>> -> memref<1x128xi32, #tpu.memory_space<vmem>>
    %dma_start3A_178 = tpu.memref_squeeze %dma_start3A_177 : memref<1x128xi32, #tpu.memory_space<vmem>> -> memref<128xi32, #tpu.memory_space<vmem>>
    %dma_start3A_179 = arith.constant 0 : i32
    %dma_start3A_180 = arith.constant 0 : i32
    %dma_start3A_181 = tpu.memref_slice %arg3[%dma_start3A_179, %dma_start3A_180] : memref<35072x256xf32, #tpu.memory_space<hbm>> -> memref<35072x256xf32, #tpu.memory_space<hbm>>
    tpu.enqueue_indirect_dma source(%dma_start3A_181 : memref<35072x256xf32, #tpu.memory_space<hbm>>) target(%arg6 : memref<128x256xf32, #tpu.memory_space<vmem>>) offsets(%dma_start3A_178 : memref<128xi32, #tpu.memory_space<vmem>>) semaphore(%arg9 : memref<!tpu.dma_semaphore, #tpu.memory_space<semaphore_mem>>)
    %dma_wait3A_182 = arith.constant 6 : i32
    %dma_wait3A_183 = arith.constant 0 : i32
    %dma_wait3A_184 = tpu.memref_slice %arg7[%dma_wait3A_182, %dma_wait3A_183] : memref<8x128xi32, #tpu.memory_space<vmem>> -> memref<1x128xi32, #tpu.memory_space<vmem>>
    %dma_wait3A_185 = tpu.memref_squeeze %dma_wait3A_184 : memref<1x128xi32, #tpu.memory_space<vmem>> -> memref<128xi32, #tpu.memory_space<vmem>>
    %dma_wait3A_186 = arith.constant 0 : i32
    %dma_wait3A_187 = arith.constant 0 : i32
    %dma_wait3A_188 = tpu.memref_slice %arg3[%dma_wait3A_186, %dma_wait3A_187] : memref<35072x256xf32, #tpu.memory_space<hbm>> -> memref<35072x256xf32, #tpu.memory_space<hbm>>
    tpu.wait_indirect_dma semaphore(%arg8 : memref<!tpu.dma_semaphore, #tpu.memory_space<semaphore_mem>>) src(%dma_wait3A_188 : memref<35072x256xf32, #tpu.memory_space<hbm>>) dst(%arg5 : memref<128x256xf32, #tpu.memory_space<vmem>>)
    %add3A_189 = arith.constant 768 : i32
    %add3A_190 = arith.addi %mul3A_2, %add3A_189 : i32
    %dma_start3A_191 = arith.constant 0 : i32
    %dma_start3A_192 = tpu.memref_slice %arg4[%arg0, %add3A_190, %dma_start3A_191] : memref<2x16384x256xf32, #tpu.memory_space<hbm>> -> memref<1x128x256xf32, #tpu.memory_space<hbm>>
    %dma_start3A_193 = tpu.memref_squeeze %dma_start3A_192 : memref<1x128x256xf32, #tpu.memory_space<hbm>> -> memref<128x256xf32, #tpu.memory_space<hbm>>
    %dma_start3A_194 = arith.constant 0 : i32
    %dma_start3A_195 = tpu.memref_slice %arg4[%arg0, %add3A_190, %dma_start3A_194] : memref<2x16384x256xf32, #tpu.memory_space<hbm>> -> memref<1x128x256xf32, #tpu.memory_space<hbm>>
    %dma_start3A_196 = tpu.memref_squeeze %dma_start3A_195 : memref<1x128x256xf32, #tpu.memory_space<hbm>> -> memref<128x256xf32, #tpu.memory_space<hbm>>
    tpu.enqueue_dma source(%arg5 : memref<128x256xf32, #tpu.memory_space<vmem>>) target(%dma_start3A_196 : memref<128x256xf32, #tpu.memory_space<hbm>>) target_semaphore(%arg10 : memref<!tpu.dma_semaphore, #tpu.memory_space<semaphore_mem>>)
    %dma_wait3A_197 = arith.constant 7 : i32
    %dma_wait3A_198 = arith.constant 0 : i32
    %dma_wait3A_199 = tpu.memref_slice %arg7[%dma_wait3A_197, %dma_wait3A_198] : memref<8x128xi32, #tpu.memory_space<vmem>> -> memref<1x128xi32, #tpu.memory_space<vmem>>
    %dma_wait3A_200 = tpu.memref_squeeze %dma_wait3A_199 : memref<1x128xi32, #tpu.memory_space<vmem>> -> memref<128xi32, #tpu.memory_space<vmem>>
    %dma_wait3A_201 = arith.constant 0 : i32
    %dma_wait3A_202 = arith.constant 0 : i32
    %dma_wait3A_203 = tpu.memref_slice %arg3[%dma_wait3A_201, %dma_wait3A_202] : memref<35072x256xf32, #tpu.memory_space<hbm>> -> memref<35072x256xf32, #tpu.memory_space<hbm>>
    tpu.wait_indirect_dma semaphore(%arg9 : memref<!tpu.dma_semaphore, #tpu.memory_space<semaphore_mem>>) src(%dma_wait3A_203 : memref<35072x256xf32, #tpu.memory_space<hbm>>) dst(%arg6 : memref<128x256xf32, #tpu.memory_space<vmem>>)
    %add3A_204 = arith.constant 896 : i32
    %add3A_205 = arith.addi %mul3A_2, %add3A_204 : i32
    %dma_start3A_206 = arith.constant 0 : i32
    %dma_start3A_207 = tpu.memref_slice %arg4[%arg0, %add3A_205, %dma_start3A_206] : memref<2x16384x256xf32, #tpu.memory_space<hbm>> -> memref<1x128x256xf32, #tpu.memory_space<hbm>>
    %dma_start3A_208 = tpu.memref_squeeze %dma_start3A_207 : memref<1x128x256xf32, #tpu.memory_space<hbm>> -> memref<128x256xf32, #tpu.memory_space<hbm>>
    %dma_start3A_209 = arith.constant 0 : i32
    %dma_start3A_210 = tpu.memref_slice %arg4[%arg0, %add3A_205, %dma_start3A_209] : memref<2x16384x256xf32, #tpu.memory_space<hbm>> -> memref<1x128x256xf32, #tpu.memory_space<hbm>>
    %dma_start3A_211 = tpu.memref_squeeze %dma_start3A_210 : memref<1x128x256xf32, #tpu.memory_space<hbm>> -> memref<128x256xf32, #tpu.memory_space<hbm>>
    tpu.enqueue_dma source(%arg6 : memref<128x256xf32, #tpu.memory_space<vmem>>) target(%dma_start3A_211 : memref<128x256xf32, #tpu.memory_space<hbm>>) target_semaphore(%arg11 : memref<!tpu.dma_semaphore, #tpu.memory_space<semaphore_mem>>)
    %dma_wait3A_212 = arith.constant 0 : i32
    %dma_wait3A_213 = tpu.memref_slice %arg4[%arg0, %add3A_190, %dma_wait3A_212] : memref<2x16384x256xf32, #tpu.memory_space<hbm>> -> memref<1x128x256xf32, #tpu.memory_space<hbm>>
    %dma_wait3A_214 = tpu.memref_squeeze %dma_wait3A_213 : memref<1x128x256xf32, #tpu.memory_space<hbm>> -> memref<128x256xf32, #tpu.memory_space<hbm>>
    %dma_wait3A_215 = arith.constant 0 : i32
    %dma_wait3A_216 = tpu.memref_slice %arg4[%arg0, %add3A_190, %dma_wait3A_215] : memref<2x16384x256xf32, #tpu.memory_space<hbm>> -> memref<1x128x256xf32, #tpu.memory_space<hbm>>
    %dma_wait3A_217 = tpu.memref_squeeze %dma_wait3A_216 : memref<1x128x256xf32, #tpu.memory_space<hbm>> -> memref<128x256xf32, #tpu.memory_space<hbm>>
    tpu.wait_dma2 semaphore(%arg10 : memref<!tpu.dma_semaphore, #tpu.memory_space<semaphore_mem>>) src(%arg5 : memref<128x256xf32, #tpu.memory_space<vmem>>) dst(%dma_wait3A_217 : memref<128x256xf32, #tpu.memory_space<hbm>>)
    %dma_wait3A_218 = arith.constant 0 : i32
    %dma_wait3A_219 = tpu.memref_slice %arg4[%arg0, %add3A_205, %dma_wait3A_218] : memref<2x16384x256xf32, #tpu.memory_space<hbm>> -> memref<1x128x256xf32, #tpu.memory_space<hbm>>
    %dma_wait3A_220 = tpu.memref_squeeze %dma_wait3A_219 : memref<1x128x256xf32, #tpu.memory_space<hbm>> -> memref<128x256xf32, #tpu.memory_space<hbm>>
    %dma_wait3A_221 = arith.constant 0 : i32
    %dma_wait3A_222 = tpu.memref_slice %arg4[%arg0, %add3A_205, %dma_wait3A_221] : memref<2x16384x256xf32, #tpu.memory_space<hbm>> -> memref<1x128x256xf32, #tpu.memory_space<hbm>>
    %dma_wait3A_223 = tpu.memref_squeeze %dma_wait3A_222 : memref<1x128x256xf32, #tpu.memory_space<hbm>> -> memref<128x256xf32, #tpu.memory_space<hbm>>
    tpu.wait_dma2 semaphore(%arg11 : memref<!tpu.dma_semaphore, #tpu.memory_space<semaphore_mem>>) src(%arg6 : memref<128x256xf32, #tpu.memory_space<vmem>>) dst(%dma_wait3A_223 : memref<128x256xf32, #tpu.memory_space<hbm>>)
    return
  }
}

module attributes {stable_mosaic.version = 14 : i64} {
  func.func @_scores_body(%arg0: i32, %arg1: i32, %arg2: memref<1x4096x256xf32, #tpu.memory_space<vmem>>, %arg3: memref<1x1024x256xf32, #tpu.memory_space<vmem>>, %arg4: memref<1x128x128xi32, #tpu.memory_space<vmem>>, %arg5: memref<1x128x128xi32, #tpu.memory_space<vmem>>, %arg6: memref<128x128xf32, #tpu.memory_space<vmem>>, %arg7: memref<128x128xi32, #tpu.memory_space<vmem>>) attributes {dimension_semantics = [#tpu.dimension_semantics<arbitrary>, #tpu.dimension_semantics<arbitrary>], iteration_bounds = array<i64: 2, 4>, scalar_prefetch = 0 : i64, scratch_operands = 2 : i64, tpu.core_type = #tpu.core_type<tc>, window_params = [{transform_indices = @transform_0, window_bounds = array<i64: 1, 4096, 256>}, {transform_indices = @transform_1, window_bounds = array<i64: 1, 1024, 256>}, {transform_indices = @transform_2, window_bounds = array<i64: 1, 128, 128>}, {transform_indices = @transform_3, window_bounds = array<i64: 1, 128, 128>}]} {
    %get3A = arith.constant 0 : index
    %get3A_0 = arith.constant 0 : index
    %get3A_1 = arith.constant 0 : index
    %get3A_2 = vector.load %arg2[%get3A, %get3A_0, %get3A_1] : memref<1x4096x256xf32, #tpu.memory_space<vmem>>, vector<1x4096x256xf32>
    %get3A_3 = vector.shape_cast %get3A_2 : vector<1x4096x256xf32> to vector<4096x256xf32>
    %get3A_4 = arith.constant 0 : index
    %get3A_5 = arith.constant 0 : index
    %get3A_6 = arith.constant 0 : index
    %get3A_7 = vector.load %arg3[%get3A_4, %get3A_5, %get3A_6] : memref<1x1024x256xf32, #tpu.memory_space<vmem>>, vector<1x1024x256xf32>
    %get3A_8 = vector.shape_cast %get3A_7 : vector<1x1024x256xf32> to vector<1024x256xf32>
    %mul3A = arith.mulf %get3A_3, %get3A_3 : vector<4096x256xf32>
    %reduce_sum3A = arith.constant dense<0.000000e+00> : vector<4096xf32>
    %reduce_sum3A_9 = vector.multi_reduction <add>, %mul3A, %reduce_sum3A [1] : vector<4096x256xf32> to vector<4096xf32>
    %broadcast_in_dim3A = vector.shape_cast %reduce_sum3A_9 : vector<4096xf32> to vector<4096x1xf32>
    %sqrt3A = math.sqrt %broadcast_in_dim3A : vector<4096x1xf32>
    %add3A = arith.constant 9.99999997E-7 : f32
    %add3A_10 = vector.broadcast %add3A : f32 to vector<4096x1xf32>
    %add3A_11 = arith.addf %sqrt3A, %add3A_10 : vector<4096x1xf32>
    %div3A = vector.broadcast %add3A_11 : vector<4096x1xf32> to vector<4096x256xf32>
    %div3A_12 = arith.divf %get3A_3, %div3A : vector<4096x256xf32>
    %mul3A_13 = arith.mulf %get3A_8, %get3A_8 : vector<1024x256xf32>
    %reduce_sum3A_14 = arith.constant dense<0.000000e+00> : vector<1024xf32>
    %reduce_sum3A_15 = vector.multi_reduction <add>, %mul3A_13, %reduce_sum3A_14 [1] : vector<1024x256xf32> to vector<1024xf32>
    %broadcast_in_dim3A_16 = vector.shape_cast %reduce_sum3A_15 : vector<1024xf32> to vector<1024x1xf32>
    %sqrt3A_17 = math.sqrt %broadcast_in_dim3A_16 : vector<1024x1xf32>
    %add3A_18 = arith.constant 9.99999997E-7 : f32
    %add3A_19 = vector.broadcast %add3A_18 : f32 to vector<1024x1xf32>
    %add3A_20 = arith.addf %sqrt3A_17, %add3A_19 : vector<1024x1xf32>
    %div3A_21 = vector.broadcast %add3A_20 : vector<1024x1xf32> to vector<1024x256xf32>
    %div3A_22 = arith.divf %get3A_8, %div3A_21 : vector<1024x256xf32>
    %dot_general3A = arith.constant dense<0.000000e+00> : vector<1024x4096xf32>
    %dot_general3A_23 = tpu.matmul %div3A_22, %div3A_12, %dot_general3A {dimension_numbers = #tpu.dot_dimension_numbers<[1], [1], [0], [0], [0, 0, 1, 0], [], []>, transpose_lhs_hint = false} : vector<1024x256xf32>, vector<4096x256xf32>, vector<1024x4096xf32> -> vector<1024x4096xf32>
    %reduce_max3A = arith.constant dense<0xFF800000> : vector<4096xf32>
    %reduce_max3A_24 = vector.multi_reduction <maximumf>, %dot_general3A_23, %reduce_max3A [0] : vector<1024x4096xf32> to vector<4096xf32>
    %argmax3A = tpu.reduce_index %dot_general3A_23 {axis = 0 : i32, kind = #tpu.reduction_kind<arg_max>} : vector<1024x4096xf32> -> vector<4096xi32>
    %reshape3A = vector.shape_cast %reduce_max3A_24 : vector<4096xf32> to vector<32x128xf32>
    %mul3A_25 = arith.constant 32 : i32
    %mul3A_26 = arith.muli %arg1, %mul3A_25 : i32
    %swap3A = arith.index_cast %mul3A_26 : i32 to index
    %swap3A_27 = arith.constant 0 : index
    %swap3A_28 = vector.load %arg6[%swap3A, %swap3A_27] : memref<128x128xf32, #tpu.memory_space<vmem>>, vector<32x128xf32>
    tpu.vector_store %arg6[%swap3A, %swap3A_27], %reshape3A {strides = array<i32>} : memref<128x128xf32, #tpu.memory_space<vmem>>, vector<32x128xf32>,
    %reshape3A_29 = vector.shape_cast %argmax3A : vector<4096xi32> to vector<32x128xi32>
    %mul3A_30 = arith.constant 32 : i32
    %mul3A_31 = arith.muli %arg1, %mul3A_30 : i32
    %swap3A_32 = arith.index_cast %mul3A_31 : i32 to index
    %swap3A_33 = arith.constant 0 : index
    %swap3A_34 = vector.load %arg7[%swap3A_32, %swap3A_33] : memref<128x128xi32, #tpu.memory_space<vmem>>, vector<32x128xi32>
    tpu.vector_store %arg7[%swap3A_32, %swap3A_33], %reshape3A_29 {strides = array<i32>} : memref<128x128xi32, #tpu.memory_space<vmem>>, vector<32x128xi32>,
    %eq3A = arith.constant 3 : i32
    %eq3A_35 = arith.cmpi eq, %arg1, %eq3A : i32
    %convert_element_type3A = arith.extui %eq3A_35 : i1 to i32
    %cond3A = arith.constant 0 : i32
    %cond3A_36 = arith.cmpi ne, %convert_element_type3A, %cond3A : i32
    scf.if %cond3A_36 {
      %get3A_37 = arith.constant 0 : index
      %get3A_38 = arith.constant 0 : index
      %get3A_39 = vector.load %arg6[%get3A_37, %get3A_38] : memref<128x128xf32, #tpu.memory_space<vmem>>, vector<128x128xf32>
      %get3A_40 = arith.constant 0 : index
      %get3A_41 = arith.constant 0 : index
      %get3A_42 = vector.load %arg7[%get3A_40, %get3A_41] : memref<128x128xi32, #tpu.memory_space<vmem>>, vector<128x128xi32>
      %iota3A = tpu.iota {dimensions = array<i32: 0>} : vector<128x128xi32>
      %iota3A_43 = tpu.iota {dimensions = array<i32: 1>} : vector<128x128xi32>
      %jit3A = arith.constant 4 : i32
      %eq3A_44 = arith.constant 0 : i32
      %eq3A_45 = arith.cmpi eq, %jit3A, %eq3A_44 : i32
      %jit3A_46 = arith.constant 1 : i32
      %select_n3A = arith.select %eq3A_45, %jit3A_46, %jit3A : i32
      %rem3A = vector.broadcast %select_n3A : i32 to vector<128x128xi32>
      %rem3A_47 = arith.remsi %iota3A, %rem3A : vector<128x128xi32>
      %ne3A = arith.constant 0 : i32
      %ne3A_48 = vector.broadcast %ne3A : i32 to vector<128x128xi32>
      %ne3A_49 = arith.cmpi ne, %rem3A_47, %ne3A_48 : vector<128x128xi32>
      %lt3A = arith.constant 0 : i32
      %lt3A_50 = vector.broadcast %lt3A : i32 to vector<128x128xi32>
      %lt3A_51 = arith.cmpi slt, %rem3A_47, %lt3A_50 : vector<128x128xi32>
      %lt3A_52 = arith.constant 0 : i32
      %lt3A_53 = arith.cmpi slt, %select_n3A, %lt3A_52 : i32
      %ne3A_54 = vector.broadcast %lt3A_53 : i1 to vector<128x128xi1>
      %ne3A_55 = vector.broadcast %ne3A_54 : vector<128x128xi1> to vector<128x128xi1>
      %ne3A_56 = arith.xori %lt3A_51, %ne3A_55 : vector<128x128xi1>
      %and3A = arith.andi %ne3A_56, %ne3A_49 : vector<128x128xi1>
      %add3A_57 = vector.broadcast %select_n3A : i32 to vector<128x128xi32>
      %add3A_58 = arith.addi %rem3A_47, %add3A_57 : vector<128x128xi32>
      %select_n3A_59 = arith.select %and3A, %add3A_58, %rem3A_47 : vector<128x128xi1>, vector<128x128xi32>
      %eq3A_60 = arith.constant 0 : i32
      %eq3A_61 = vector.broadcast %eq3A_60 : i32 to vector<128x128xi32>
      %eq3A_62 = arith.cmpi eq, %select_n3A_59, %eq3A_61 : vector<128x128xi32>
      %jit3A_63 = arith.constant 4 : i32
      %eq3A_64 = arith.constant 0 : i32
      %eq3A_65 = arith.cmpi eq, %jit3A_63, %eq3A_64 : i32
      %jit3A_66 = arith.constant 1 : i32
      %select_n3A_67 = arith.select %eq3A_65, %jit3A_66, %jit3A_63 : i32
      %rem3A_68 = vector.broadcast %select_n3A_67 : i32 to vector<128x128xi32>
      %rem3A_69 = arith.remsi %iota3A_43, %rem3A_68 : vector<128x128xi32>
      %ne3A_70 = arith.constant 0 : i32
      %ne3A_71 = vector.broadcast %ne3A_70 : i32 to vector<128x128xi32>
      %ne3A_72 = arith.cmpi ne, %rem3A_69, %ne3A_71 : vector<128x128xi32>
      %lt3A_73 = arith.constant 0 : i32
      %lt3A_74 = vector.broadcast %lt3A_73 : i32 to vector<128x128xi32>
      %lt3A_75 = arith.cmpi slt, %rem3A_69, %lt3A_74 : vector<128x128xi32>
      %lt3A_76 = arith.constant 0 : i32
      %lt3A_77 = arith.cmpi slt, %select_n3A_67, %lt3A_76 : i32
      %ne3A_78 = vector.broadcast %lt3A_77 : i1 to vector<128x128xi1>
      %ne3A_79 = vector.broadcast %ne3A_78 : vector<128x128xi1> to vector<128x128xi1>
      %ne3A_80 = arith.xori %lt3A_75, %ne3A_79 : vector<128x128xi1>
      %and3A_81 = arith.andi %ne3A_80, %ne3A_72 : vector<128x128xi1>
      %add3A_82 = vector.broadcast %select_n3A_67 : i32 to vector<128x128xi32>
      %add3A_83 = arith.addi %rem3A_69, %add3A_82 : vector<128x128xi32>
      %select_n3A_84 = arith.select %and3A_81, %add3A_83, %rem3A_69 : vector<128x128xi1>, vector<128x128xi32>
      %eq3A_85 = arith.constant 0 : i32
      %eq3A_86 = vector.broadcast %eq3A_85 : i32 to vector<128x128xi32>
      %eq3A_87 = arith.cmpi eq, %select_n3A_84, %eq3A_86 : vector<128x128xi32>
      %and3A_88 = arith.andi %eq3A_62, %eq3A_87 : vector<128x128xi1>
      %bitcast_convert_type3A = tpu.bitcast %get3A_39 : vector<128x128xf32> -> vector<128x128xi32>
      %shift_right_arithmetic3A = arith.constant 31 : i32
      %shift_right_arithmetic3A_89 = vector.broadcast %shift_right_arithmetic3A : i32 to vector<128x128xi32>
      %shift_right_arithmetic3A_90 = arith.shrsi %bitcast_convert_type3A, %shift_right_arithmetic3A_89 : vector<128x128xi32>
      %and3A_91 = arith.constant 2147483647 : i32
      %and3A_92 = vector.broadcast %and3A_91 : i32 to vector<128x128xi32>
      %and3A_93 = arith.andi %shift_right_arithmetic3A_90, %and3A_92 : vector<128x128xi32>
      %xor3A = arith.xori %bitcast_convert_type3A, %and3A_93 : vector<128x128xi32>
      %jit3A_94 = arith.constant -2147483648 : i32
      %broadcast_in_dim3A_95 = vector.broadcast %jit3A_94 : i32 to vector<128x128xi32>
      %select_n3A_96 = arith.select %and3A_88, %broadcast_in_dim3A_95, %xor3A : vector<128x128xi1>, vector<128x128xi32>
      %ge3A = arith.constant 0 : i32
      %ge3A_97 = vector.broadcast %ge3A : i32 to vector<128x128xi32>
      %ge3A_98 = arith.cmpi sge, %select_n3A_96, %ge3A_97 : vector<128x128xi32>
      %convert_element_type3A_99 = arith.extui %ge3A_98 : vector<128x128xi1> to vector<128x128xi32>
      %reduce_sum3A_100 = vector.shape_cast %convert_element_type3A_99 : vector<128x128xi32> to vector<1x128x128xi32>
      %reduce_sum3A_101 = arith.constant dense<0> : vector<1xi32>
      %reduce_sum3A_102 = vector.multi_reduction <add>, %reduce_sum3A_100, %reduce_sum3A_101 [1, 2] : vector<1x128x128xi32> to vector<1xi32>
      %reduce_sum3A_103 = vector.shape_cast %reduce_sum3A_102 : vector<1xi32> to vector<1x1x1xi32>
      %reduce_sum3A_104 = vector.extract %reduce_sum3A_103[0, 0, 0] : i32 from vector<1x1x1xi32>
      %ge3A_105 = arith.constant 8192 : i32
      %ge3A_106 = arith.cmpi sge, %reduce_sum3A_104, %ge3A_105 : i32
      %ge3A_107 = arith.constant 0 : i32
      %ge3A_108 = vector.broadcast %ge3A_107 : i32 to vector<128x128xi32>
      %ge3A_109 = arith.cmpi sge, %select_n3A_96, %ge3A_108 : vector<128x128xi32>
      %eq3A_110 = vector.broadcast %ge3A_106 : i1 to vector<128x128xi1>
      %eq3A_111 = vector.broadcast %eq3A_110 : vector<128x128xi1> to vector<128x128xi1>
      %eq3A_112 = arith.xori %ge3A_109, %eq3A_111 : vector<128x128xi1>
      %eq3A_113 = arith.constant dense<true> : vector<128x128xi1>
      %eq3A_114 = arith.xori %eq3A_112, %eq3A_113 : vector<128x128xi1>
      %not3A = arith.constant dense<true> : vector<128x128xi1>
      %not3A_115 = arith.xori %and3A_88, %not3A : vector<128x128xi1>
      %and3A_116 = arith.andi %eq3A_114, %not3A_115 : vector<128x128xi1>
      %and3A_117 = arith.constant 2147483647 : i32
      %and3A_118 = vector.broadcast %and3A_117 : i32 to vector<128x128xi32>
      %and3A_119 = arith.andi %select_n3A_96, %and3A_118 : vector<128x128xi32>
      %jit3A_120 = arith.constant -1 : i32
      %broadcast_in_dim3A_121 = vector.broadcast %jit3A_120 : i32 to vector<128x128xi32>
      %select_n3A_122 = arith.select %and3A_116, %and3A_119, %broadcast_in_dim3A_121 : vector<128x128xi1>, vector<128x128xi32>
      %sub3A = arith.constant 8192 : i32
      %sub3A_123 = arith.subi %sub3A, %reduce_sum3A_104 : i32
      %jit3A_124 = arith.constant 8192 : i32
      %select_n3A_125 = arith.select %ge3A_106, %jit3A_124, %sub3A_123 : i32
      %scan3A = arith.constant 0 : i32
      %scan3A_126 = arith.constant 0 : i32
      %scan3A_127 = arith.constant 31 : i32
      %scan3A_128 = arith.addi %scan3A_126, %scan3A_127 : i32
      %scan3A_129 = arith.constant 1 : i32
      %scan3A_130 = scf.for %scan3A_271 = %scan3A_126 to %scan3A_128 step %scan3A_129 iter_args(%scan3A_272 = %scan3A) -> (i32)  : i32 {
        %sub3A_273 = arith.constant 30 : i32
        %sub3A_274 = arith.subi %sub3A_273, %scan3A_271 : i32
        %shift_left3A = arith.constant 1 : i32
        %shift_left3A_275 = arith.shli %shift_left3A, %sub3A_274 : i32
        %or3A_276 = arith.ori %scan3A_272, %shift_left3A_275 : i32
        %ge3A_277 = vector.broadcast %or3A_276 : i32 to vector<128x128xi32>
        %ge3A_278 = arith.cmpi sge, %select_n3A_122, %ge3A_277 : vector<128x128xi32>
        %convert_element_type3A_279 = arith.extui %ge3A_278 : vector<128x128xi1> to vector<128x128xi32>
        %reduce_sum3A_280 = vector.shape_cast %convert_element_type3A_279 : vector<128x128xi32> to vector<1x128x128xi32>
        %reduce_sum3A_281 = arith.constant dense<0> : vector<1xi32>
        %reduce_sum3A_282 = vector.multi_reduction <add>, %reduce_sum3A_280, %reduce_sum3A_281 [1, 2] : vector<1x128x128xi32> to vector<1xi32>
        %reduce_sum3A_283 = vector.shape_cast %reduce_sum3A_282 : vector<1xi32> to vector<1x1x1xi32>
        %reduce_sum3A_284 = vector.extract %reduce_sum3A_283[0, 0, 0] : i32 from vector<1x1x1xi32>
        %ge3A_285 = arith.cmpi sge, %reduce_sum3A_284, %select_n3A_125 : i32
        %select_n3A_286 = arith.select %ge3A_285, %or3A_276, %scan3A_272 : i32
        scf.yield %select_n3A_286 : i32
      }
      %scan3A_131 = arith.constant 31 : i32
      %or3A = arith.constant -2147483648 : i32
      %or3A_132 = arith.ori %scan3A_130, %or3A : i32
      %select_n3A_133 = arith.select %ge3A_106, %scan3A_130, %or3A_132 : i32
      %not3A_134 = arith.constant dense<true> : vector<128x128xi1>
      %not3A_135 = arith.xori %and3A_88, %not3A_134 : vector<128x128xi1>
      %gt3A = vector.broadcast %select_n3A_133 : i32 to vector<128x128xi32>
      %gt3A_136 = arith.cmpi sgt, %select_n3A_96, %gt3A : vector<128x128xi32>
      %and3A_137 = arith.andi %gt3A_136, %not3A_135 : vector<128x128xi1>
      %eq3A_138 = vector.broadcast %select_n3A_133 : i32 to vector<128x128xi32>
      %eq3A_139 = arith.cmpi eq, %select_n3A_96, %eq3A_138 : vector<128x128xi32>
      %and3A_140 = arith.andi %eq3A_139, %not3A_135 : vector<128x128xi1>
      %convert_element_type3A_141 = arith.extui %and3A_137 : vector<128x128xi1> to vector<128x128xi32>
      %reduce_sum3A_142 = vector.shape_cast %convert_element_type3A_141 : vector<128x128xi32> to vector<1x128x128xi32>
      %reduce_sum3A_143 = arith.constant dense<0> : vector<1xi32>
      %reduce_sum3A_144 = vector.multi_reduction <add>, %reduce_sum3A_142, %reduce_sum3A_143 [1, 2] : vector<1x128x128xi32> to vector<1xi32>
      %reduce_sum3A_145 = vector.shape_cast %reduce_sum3A_144 : vector<1xi32> to vector<1x1x1xi32>
      %reduce_sum3A_146 = vector.extract %reduce_sum3A_145[0, 0, 0] : i32 from vector<1x1x1xi32>
      %sub3A_147 = arith.constant 8192 : i32
      %sub3A_148 = arith.subi %sub3A_147, %reduce_sum3A_146 : i32
      %convert_element_type3A_149 = arith.sitofp %sub3A_148 : i32 to f32
      %convert_element_type3A_150 = arith.extui %and3A_140 : vector<128x128xi1> to vector<128x128xi32>
      %convert_element_type3A_151 = arith.sitofp %convert_element_type3A_150 : vector<128x128xi32> to vector<128x128xf32>
      %le3A = arith.cmpi sle, %iota3A, %iota3A_43 : vector<128x128xi32>
      %convert_element_type3A_152 = arith.extui %le3A : vector<128x128xi1> to vector<128x128xi32>
      %convert_element_type3A_153 = arith.sitofp %convert_element_type3A_152 : vector<128x128xi32> to vector<128x128xf32>
      %dot_general3A_154 = arith.constant dense<0.000000e+00> : vector<128x128xf32>
      %dot_general3A_155 = tpu.matmul %convert_element_type3A_151, %convert_element_type3A_153, %dot_general3A_154 {dimension_numbers = #tpu.dot_dimension_numbers<[1], [0], [0], [1], [0, 0, 1, 1], [], []>, precision = #tpu.contract_precision<fp32>, transpose_lhs_hint = false} : vector<128x128xf32>, vector<128x128xf32>, vector<128x128xf32> -> vector<128x128xf32>
      %slice3A = vector.extract_strided_slice %dot_general3A_155 {offsets = [0, 127], sizes = [128, 1], strides = [1, 1]} : vector<128x128xf32> to vector<128x1xf32>
      %gt3A_156 = arith.cmpi sgt, %iota3A, %iota3A_43 : vector<128x128xi32>
      %convert_element_type3A_157 = arith.extui %gt3A_156 : vector<128x128xi1> to vector<128x128xi32>
      %convert_element_type3A_158 = arith.sitofp %convert_element_type3A_157 : vector<128x128xi32> to vector<128x128xf32>
      %dot_general3A_159 = arith.constant dense<0.000000e+00> : vector<128x1xf32>
      %dot_general3A_160 = tpu.matmul %convert_element_type3A_158, %slice3A, %dot_general3A_159 {dimension_numbers = #tpu.dot_dimension_numbers<[1], [0], [0], [1], [0, 0, 1, 1], [], []>, precision = #tpu.contract_precision<fp32>, transpose_lhs_hint = false} : vector<128x128xf32>, vector<128x1xf32>, vector<128x1xf32> -> vector<128x1xf32>
      %sub3A_161 = arith.subf %dot_general3A_155, %convert_element_type3A_151 : vector<128x128xf32>
      %add3A_162 = vector.broadcast %dot_general3A_160 : vector<128x1xf32> to vector<128x128xf32>
      %add3A_163 = arith.addf %sub3A_161, %add3A_162 : vector<128x128xf32>
      %lt3A_164 = vector.broadcast %convert_element_type3A_149 : f32 to vector<128x128xf32>
      %lt3A_165 = arith.cmpf olt, %add3A_163, %lt3A_164 : vector<128x128xf32>
      %and3A_166 = arith.andi %and3A_140, %lt3A_165 : vector<128x128xi1>
      %or3A_167 = arith.ori %and3A_137, %and3A_166 : vector<128x128xi1>
      %jit3A_168 = arith.constant 4 : i32
      %div3A_169 = vector.broadcast %jit3A_168 : i32 to vector<128x128xi32>
      %div3A_170 = arith.divsi %iota3A, %div3A_169 : vector<128x128xi32>
      %sign3A = arith.constant 0 : i32
      %sign3A_171 = vector.broadcast %sign3A : i32 to vector<128x128xi32>
      %sign3A_172 = arith.cmpi sgt, %iota3A, %sign3A_171 : vector<128x128xi32>
      %sign3A_173 = arith.extui %sign3A_172 : vector<128x128xi1> to vector<128x128xi32>
      %sign3A_174 = arith.constant 0 : i32
      %sign3A_175 = vector.broadcast %sign3A_174 : i32 to vector<128x128xi32>
      %sign3A_176 = arith.cmpi slt, %iota3A, %sign3A_175 : vector<128x128xi32>
      %sign3A_177 = arith.extui %sign3A_176 : vector<128x128xi1> to vector<128x128xi32>
      %sign3A_178 = arith.subi %sign3A_173, %sign3A_177 : vector<128x128xi32>
      %sign3A_179 = arith.constant 0 : i32
      %sign3A_180 = arith.cmpi sgt, %jit3A_168, %sign3A_179 : i32
      %sign3A_181 = arith.extui %sign3A_180 : i1 to i32
      %sign3A_182 = arith.constant 0 : i32
      %sign3A_183 = arith.cmpi slt, %jit3A_168, %sign3A_182 : i32
      %sign3A_184 = arith.extui %sign3A_183 : i1 to i32
      %sign3A_185 = arith.subi %sign3A_181, %sign3A_184 : i32
      %ne3A_186 = vector.broadcast %sign3A_185 : i32 to vector<128x128xi32>
      %ne3A_187 = arith.cmpi ne, %sign3A_178, %ne3A_186 : vector<128x128xi32>
      %rem3A_188 = vector.broadcast %jit3A_168 : i32 to vector<128x128xi32>
      %rem3A_189 = arith.remsi %iota3A, %rem3A_188 : vector<128x128xi32>
      %ne3A_190 = arith.constant 0 : i32
      %ne3A_191 = vector.broadcast %ne3A_190 : i32 to vector<128x128xi32>
      %ne3A_192 = arith.cmpi ne, %rem3A_189, %ne3A_191 : vector<128x128xi32>
      %and3A_193 = arith.andi %ne3A_187, %ne3A_192 : vector<128x128xi1>
      %sub3A_194 = arith.constant 1 : i32
      %sub3A_195 = vector.broadcast %sub3A_194 : i32 to vector<128x128xi32>
      %sub3A_196 = arith.subi %div3A_170, %sub3A_195 : vector<128x128xi32>
      %select_n3A_197 = arith.select %and3A_193, %sub3A_196, %div3A_170 : vector<128x128xi1>, vector<128x128xi32>
      %mul3A_198 = arith.constant 32 : i32
      %mul3A_199 = vector.broadcast %mul3A_198 : i32 to vector<128x128xi32>
      %mul3A_200 = arith.muli %select_n3A_197, %mul3A_199 : vector<128x128xi32>
      %jit3A_201 = arith.constant 4 : i32
      %div3A_202 = vector.broadcast %jit3A_201 : i32 to vector<128x128xi32>
      %div3A_203 = arith.divsi %iota3A_43, %div3A_202 : vector<128x128xi32>
      %sign3A_204 = arith.constant 0 : i32
      %sign3A_205 = vector.broadcast %sign3A_204 : i32 to vector<128x128xi32>
      %sign3A_206 = arith.cmpi sgt, %iota3A_43, %sign3A_205 : vector<128x128xi32>
      %sign3A_207 = arith.extui %sign3A_206 : vector<128x128xi1> to vector<128x128xi32>
      %sign3A_208 = arith.constant 0 : i32
      %sign3A_209 = vector.broadcast %sign3A_208 : i32 to vector<128x128xi32>
      %sign3A_210 = arith.cmpi slt, %iota3A_43, %sign3A_209 : vector<128x128xi32>
      %sign3A_211 = arith.extui %sign3A_210 : vector<128x128xi1> to vector<128x128xi32>
      %sign3A_212 = arith.subi %sign3A_207, %sign3A_211 : vector<128x128xi32>
      %sign3A_213 = arith.constant 0 : i32
      %sign3A_214 = arith.cmpi sgt, %jit3A_201, %sign3A_213 : i32
      %sign3A_215 = arith.extui %sign3A_214 : i1 to i32
      %sign3A_216 = arith.constant 0 : i32
      %sign3A_217 = arith.cmpi slt, %jit3A_201, %sign3A_216 : i32
      %sign3A_218 = arith.extui %sign3A_217 : i1 to i32
      %sign3A_219 = arith.subi %sign3A_215, %sign3A_218 : i32
      %ne3A_220 = vector.broadcast %sign3A_219 : i32 to vector<128x128xi32>
      %ne3A_221 = arith.cmpi ne, %sign3A_212, %ne3A_220 : vector<128x128xi32>
      %rem3A_222 = vector.broadcast %jit3A_201 : i32 to vector<128x128xi32>
      %rem3A_223 = arith.remsi %iota3A_43, %rem3A_222 : vector<128x128xi32>
      %ne3A_224 = arith.constant 0 : i32
      %ne3A_225 = vector.broadcast %ne3A_224 : i32 to vector<128x128xi32>
      %ne3A_226 = arith.cmpi ne, %rem3A_223, %ne3A_225 : vector<128x128xi32>
      %and3A_227 = arith.andi %ne3A_221, %ne3A_226 : vector<128x128xi1>
      %sub3A_228 = arith.constant 1 : i32
      %sub3A_229 = vector.broadcast %sub3A_228 : i32 to vector<128x128xi32>
      %sub3A_230 = arith.subi %div3A_203, %sub3A_229 : vector<128x128xi32>
      %select_n3A_231 = arith.select %and3A_227, %sub3A_230, %div3A_203 : vector<128x128xi1>, vector<128x128xi32>
      %add3A_232 = arith.addi %mul3A_200, %select_n3A_231 : vector<128x128xi32>
      %jit3A_233 = arith.constant 1024 : i32
      %broadcast_in_dim3A_234 = vector.broadcast %jit3A_233 : i32 to vector<128x128xi32>
      %select_n3A_235 = arith.select %or3A_167, %get3A_42, %broadcast_in_dim3A_234 : vector<128x128xi1>, vector<128x128xi32>
      %select_n3A_236 = arith.select %and3A_88, %add3A_232, %select_n3A_235 : vector<128x128xi1>, vector<128x128xi32>
      %swap3A_237 = arith.constant 0 : index
      %swap3A_238 = arith.constant 0 : index
      %swap3A_239 = arith.constant 0 : index
      %swap3A_240 = vector.load %arg4[%swap3A_237, %swap3A_238, %swap3A_239] : memref<1x128x128xi32, #tpu.memory_space<vmem>>, vector<1x128x128xi32>
      %swap3A_241 = vector.shape_cast %swap3A_240 : vector<1x128x128xi32> to vector<128x128xi32>
      %swap3A_242 = vector.shape_cast %select_n3A_236 : vector<128x128xi32> to vector<1x128x128xi32>
      tpu.vector_store %arg4[%swap3A_237, %swap3A_238, %swap3A_239], %swap3A_242 {strides = array<i32>} : memref<1x128x128xi32, #tpu.memory_space<vmem>>, vector<1x128x128xi32>,
      %jit3A_243 = arith.constant -1 : i32
      %broadcast_in_dim3A_244 = vector.broadcast %jit3A_243 : i32 to vector<128x128xi32>
      %select_n3A_245 = arith.select %or3A_167, %get3A_42, %broadcast_in_dim3A_244 : vector<128x128xi1>, vector<128x128xi32>
      %select_n3A_246 = arith.select %and3A_88, %add3A_232, %select_n3A_245 : vector<128x128xi1>, vector<128x128xi32>
      %ge3A_247 = arith.constant 0 : i32
      %ge3A_248 = vector.broadcast %ge3A_247 : i32 to vector<128x128xi32>
      %ge3A_249 = arith.cmpi sge, %select_n3A_246, %ge3A_248 : vector<128x128xi32>
      %mul3A_250 = arith.constant 128 : i32
      %mul3A_251 = vector.broadcast %mul3A_250 : i32 to vector<128x128xi32>
      %mul3A_252 = arith.muli %iota3A, %mul3A_251 : vector<128x128xi32>
      %add3A_253 = arith.addi %mul3A_252, %iota3A_43 : vector<128x128xi32>
      %mul3A_254 = arith.constant 1152 : i32
      %mul3A_255 = arith.muli %arg0, %mul3A_254 : i32
      %add3A_256 = vector.broadcast %mul3A_255 : i32 to vector<128x128xi32>
      %add3A_257 = arith.addi %add3A_256, %select_n3A_246 : vector<128x128xi32>
      %mul3A_258 = arith.constant 16384 : i32
      %mul3A_259 = arith.muli %arg0, %mul3A_258 : i32
      %add3A_260 = arith.constant 2304 : i32
      %add3A_261 = arith.addi %add3A_260, %mul3A_259 : i32
      %add3A_262 = vector.broadcast %add3A_261 : i32 to vector<128x128xi32>
      %add3A_263 = arith.addi %add3A_262, %add3A_253 : vector<128x128xi32>
      %select_n3A_264 = arith.select %ge3A_249, %add3A_257, %add3A_263 : vector<128x128xi1>, vector<128x128xi32>
      %swap3A_265 = arith.constant 0 : index
      %swap3A_266 = arith.constant 0 : index
      %swap3A_267 = arith.constant 0 : index
      %swap3A_268 = vector.load %arg5[%swap3A_265, %swap3A_266, %swap3A_267] : memref<1x128x128xi32, #tpu.memory_space<vmem>>, vector<1x128x128xi32>
      %swap3A_269 = vector.shape_cast %swap3A_268 : vector<1x128x128xi32> to vector<128x128xi32>
      %swap3A_270 = vector.shape_cast %select_n3A_264 : vector<128x128xi32> to vector<1x128x128xi32>
      tpu.vector_store %arg5[%swap3A_265, %swap3A_266, %swap3A_267], %swap3A_270 {strides = array<i32>} : memref<1x128x128xi32, #tpu.memory_space<vmem>>, vector<1x128x128xi32>,
    } else {
    }
    return
  }
  func.func @transform_0(%arg0: i32, %arg1: i32) -> (i32, i32, i32) {
    %c0_i32 = arith.constant 0 : i32
    %c0_i32_0 = arith.constant 0 : i32
    return %arg0, %arg1, %c0_i32 : i32, i32, i32
  }
  func.func @transform_1(%arg0: i32, %arg1: i32) -> (i32, i32, i32) {
    %c0_i32 = arith.constant 0 : i32
    %c0_i32_0 = arith.constant 0 : i32
    %c0_i32_1 = arith.constant 0 : i32
    return %arg0, %c0_i32, %c0_i32_0 : i32, i32, i32
  }
  func.func @transform_2(%arg0: i32, %arg1: i32) -> (i32, i32, i32) {
    %c0_i32 = arith.constant 0 : i32
    %c0_i32_0 = arith.constant 0 : i32
    %c0_i32_1 = arith.constant 0 : i32
    return %arg0, %c0_i32, %c0_i32_0 : i32, i32, i32
  }
  func.func @transform_3(%arg0: i32, %arg1: i32) -> (i32, i32, i32) {
    %c0_i32 = arith.constant 0 : i32
    %c0_i32_0 = arith.constant 0 : i32
    %c0_i32_1 = arith.constant 0 : i32
    return %arg0, %c0_i32, %c0_i32_0 : i32, i32, i32
  }
}

module attributes {stable_mosaic.version = 14 : i64} {
  func.func @_scatter_body(%arg0: i32, %arg1: i32, %arg2: memref<1x4096x256xf32, #tpu.memory_space<vmem>>, %arg3: memref<1x1x4096xi32, #tpu.memory_space<vmem>>, %arg4: memref<1x1152x256xf32, #tpu.memory_space<vmem>>, %arg5: memref<1152x256xf32, #tpu.memory_space<vmem>>, %arg6: memref<1152x128xf32, #tpu.memory_space<vmem>>) attributes {dimension_semantics = [#tpu.dimension_semantics<arbitrary>, #tpu.dimension_semantics<arbitrary>], iteration_bounds = array<i64: 2, 4>, scalar_prefetch = 0 : i64, scratch_operands = 2 : i64, tpu.core_type = #tpu.core_type<tc>, window_params = [{transform_indices = @transform_0, window_bounds = array<i64: 1, 4096, 256>}, {transform_indices = @transform_1, window_bounds = array<i64: 1, 1, 4096>}, {transform_indices = @transform_2, window_bounds = array<i64: 1, 1152, 256>}]} {
    %eq3A = arith.constant 0 : i32
    %eq3A_0 = arith.cmpi eq, %arg1, %eq3A : i32
    %convert_element_type3A = arith.extui %eq3A_0 : i1 to i32
    %cond3A = arith.constant 0 : i32
    %cond3A_1 = arith.cmpi ne, %convert_element_type3A, %cond3A : i32
    scf.if %cond3A_1 {
      %broadcast_in_dim3A_38 = arith.constant 0.000000e+00 : f32
      %broadcast_in_dim3A_39 = vector.broadcast %broadcast_in_dim3A_38 : f32 to vector<1152x256xf32>
      %swap3A_40 = arith.constant 0 : index
      %swap3A_41 = arith.constant 0 : index
      %swap3A_42 = vector.load %arg5[%swap3A_40, %swap3A_41] : memref<1152x256xf32, #tpu.memory_space<vmem>>, vector<1152x256xf32>
      tpu.vector_store %arg5[%swap3A_40, %swap3A_41], %broadcast_in_dim3A_39 {strides = array<i32>} : memref<1152x256xf32, #tpu.memory_space<vmem>>, vector<1152x256xf32>,
      %broadcast_in_dim3A_43 = arith.constant 0.000000e+00 : f32
      %broadcast_in_dim3A_44 = vector.broadcast %broadcast_in_dim3A_43 : f32 to vector<1152x128xf32>
      %swap3A_45 = arith.constant 0 : index
      %swap3A_46 = arith.constant 0 : index
      %swap3A_47 = vector.load %arg6[%swap3A_45, %swap3A_46] : memref<1152x128xf32, #tpu.memory_space<vmem>>, vector<1152x128xf32>
      tpu.vector_store %arg6[%swap3A_45, %swap3A_46], %broadcast_in_dim3A_44 {strides = array<i32>} : memref<1152x128xf32, #tpu.memory_space<vmem>>, vector<1152x128xf32>,
    } else {
    }
    %get3A = arith.constant 0 : index
    %get3A_2 = arith.constant 0 : index
    %get3A_3 = arith.constant 0 : index
    %get3A_4 = vector.load %arg2[%get3A, %get3A_2, %get3A_3] : memref<1x4096x256xf32, #tpu.memory_space<vmem>>, vector<1x4096x256xf32>
    %get3A_5 = vector.shape_cast %get3A_4 : vector<1x4096x256xf32> to vector<4096x256xf32>
    %get3A_6 = arith.constant 0 : index
    %get3A_7 = arith.constant 0 : index
    %get3A_8 = arith.constant 0 : index
    %get3A_9 = vector.load %arg3[%get3A_6, %get3A_7, %get3A_8] : memref<1x1x4096xi32, #tpu.memory_space<vmem>>, vector<1x1x4096xi32>
    %get3A_10 = vector.shape_cast %get3A_9 : vector<1x1x4096xi32> to vector<1x4096xi32>
    %broadcast_in_dim3A = vector.shape_cast %get3A_10 : vector<1x4096xi32> to vector<1x4096xi32>
    %broadcast_in_dim3A_11 = vector.broadcast %broadcast_in_dim3A : vector<1x4096xi32> to vector<1024x4096xi32>
    %iota3A = tpu.iota {dimensions = array<i32: 0>} : vector<1024x4096xi32>
    %eq3A_12 = arith.cmpi eq, %broadcast_in_dim3A_11, %iota3A : vector<1024x4096xi32>
    %convert_element_type3A_13 = arith.extui %eq3A_12 : vector<1024x4096xi1> to vector<1024x4096xi32>
    %convert_element_type3A_14 = arith.sitofp %convert_element_type3A_13 : vector<1024x4096xi32> to vector<1024x4096xf32>
    %get3A_15 = arith.constant 0 : index
    %get3A_16 = arith.constant 0 : index
    %get3A_17 = vector.load %arg5[%get3A_15, %get3A_16] : memref<1152x256xf32, #tpu.memory_space<vmem>>, vector<1024x256xf32>
    %dot_general3A = arith.constant dense<0.000000e+00> : vector<1024x256xf32>
    %dot_general3A_18 = tpu.matmul %convert_element_type3A_14, %get3A_5, %dot_general3A {dimension_numbers = #tpu.dot_dimension_numbers<[1], [0], [0], [1], [0, 0, 1, 1], [], []>, transpose_lhs_hint = false} : vector<1024x4096xf32>, vector<4096x256xf32>, vector<1024x256xf32> -> vector<1024x256xf32>
    %add3A = arith.addf %get3A_17, %dot_general3A_18 : vector<1024x256xf32>
    %swap3A = arith.constant 0 : index
    %swap3A_19 = arith.constant 0 : index
    %swap3A_20 = vector.load %arg5[%swap3A, %swap3A_19] : memref<1152x256xf32, #tpu.memory_space<vmem>>, vector<1024x256xf32>
    tpu.vector_store %arg5[%swap3A, %swap3A_19], %add3A {strides = array<i32>} : memref<1152x256xf32, #tpu.memory_space<vmem>>, vector<1024x256xf32>,
    %get3A_21 = arith.constant 0 : index
    %get3A_22 = arith.constant 0 : index
    %get3A_23 = vector.load %arg6[%get3A_21, %get3A_22] : memref<1152x128xf32, #tpu.memory_space<vmem>>, vector<1024x128xf32>
    %convert_element_type3A_24 = arith.truncf %convert_element_type3A_14 : vector<1024x4096xf32> to vector<1024x4096xbf16>
    %broadcast_in_dim3A_25 = arith.constant 1.000000e+00 : bf16
    %broadcast_in_dim3A_26 = vector.broadcast %broadcast_in_dim3A_25 : bf16 to vector<4096x128xbf16>
    %dot_general3A_27 = arith.constant dense<0.000000e+00> : vector<1024x128xf32>
    %dot_general3A_28 = tpu.matmul %convert_element_type3A_24, %broadcast_in_dim3A_26, %dot_general3A_27 {dimension_numbers = #tpu.dot_dimension_numbers<[1], [0], [0], [1], [0, 0, 1, 1], [], []>, transpose_lhs_hint = false} : vector<1024x4096xbf16>, vector<4096x128xbf16>, vector<1024x128xf32> -> vector<1024x128xf32>
    %add3A_29 = arith.addf %get3A_23, %dot_general3A_28 : vector<1024x128xf32>
    %swap3A_30 = arith.constant 0 : index
    %swap3A_31 = arith.constant 0 : index
    %swap3A_32 = vector.load %arg6[%swap3A_30, %swap3A_31] : memref<1152x128xf32, #tpu.memory_space<vmem>>, vector<1024x128xf32>
    tpu.vector_store %arg6[%swap3A_30, %swap3A_31], %add3A_29 {strides = array<i32>} : memref<1152x128xf32, #tpu.memory_space<vmem>>, vector<1024x128xf32>,
    %eq3A_33 = arith.constant 3 : i32
    %eq3A_34 = arith.cmpi eq, %arg1, %eq3A_33 : i32
    %convert_element_type3A_35 = arith.extui %eq3A_34 : i1 to i32
    %cond3A_36 = arith.constant 0 : i32
    %cond3A_37 = arith.cmpi ne, %convert_element_type3A_35, %cond3A_36 : i32
    scf.if %cond3A_37 {
      %get3A_38 = arith.constant 0 : index
      %get3A_39 = arith.constant 0 : index
      %get3A_40 = vector.load %arg5[%get3A_38, %get3A_39] : memref<1152x256xf32, #tpu.memory_space<vmem>>, vector<1152x256xf32>
      %get3A_41 = arith.constant 0 : index
      %get3A_42 = arith.constant 0 : index
      %get3A_43 = vector.load %arg6[%get3A_41, %get3A_42] : memref<1152x128xf32, #tpu.memory_space<vmem>>, vector<1152x1xf32>
      %max3A = arith.constant 1.000000e+00 : f32
      %max3A_44 = vector.broadcast %max3A : f32 to vector<1152x1xf32>
      %max3A_45 = arith.maximumf %get3A_43, %max3A_44 : vector<1152x1xf32>
      %div3A = vector.broadcast %max3A_45 : vector<1152x1xf32> to vector<1152x256xf32>
      %div3A_46 = arith.divf %get3A_40, %div3A : vector<1152x256xf32>
      %swap3A_47 = arith.constant 0 : index
      %swap3A_48 = arith.constant 0 : index
      %swap3A_49 = arith.constant 0 : index
      %swap3A_50 = vector.load %arg4[%swap3A_47, %swap3A_48, %swap3A_49] : memref<1x1152x256xf32, #tpu.memory_space<vmem>>, vector<1x1152x256xf32>
      %swap3A_51 = vector.shape_cast %swap3A_50 : vector<1x1152x256xf32> to vector<1152x256xf32>
      %swap3A_52 = vector.shape_cast %div3A_46 : vector<1152x256xf32> to vector<1x1152x256xf32>
      tpu.vector_store %arg4[%swap3A_47, %swap3A_48, %swap3A_49], %swap3A_52 {strides = array<i32>} : memref<1x1152x256xf32, #tpu.memory_space<vmem>>, vector<1x1152x256xf32>,
    } else {
    }
    return
  }
  func.func @transform_0(%arg0: i32, %arg1: i32) -> (i32, i32, i32) {
    %c0_i32 = arith.constant 0 : i32
    %c0_i32_0 = arith.constant 0 : i32
    return %arg0, %arg1, %c0_i32 : i32, i32, i32
  }
  func.func @transform_1(%arg0: i32, %arg1: i32) -> (i32, i32, i32) {
    %mul3A = arith.constant 4 : i32
    %mul3A_0 = arith.muli %arg0, %mul3A : i32
    %add3A = arith.addi %mul3A_0, %arg1 : i32
    %c0_i32 = arith.constant 0 : i32
    %c0_i32_1 = arith.constant 0 : i32
    %c0_i32_2 = arith.constant 0 : i32
    return %add3A, %c0_i32, %c0_i32_1 : i32, i32, i32
  }
  func.func @transform_2(%arg0: i32, %arg1: i32) -> (i32, i32, i32) {
    %c0_i32 = arith.constant 0 : i32
    %c0_i32_0 = arith.constant 0 : i32
    %c0_i32_1 = arith.constant 0 : i32
    return %arg0, %c0_i32, %c0_i32_0 : i32, i32, i32
  }
}

</mosaic_0001>

<sc_bundles>
// kernel: kernel.5.cloned.1.call-start
scs
__scs_entry_jumppad:
0x0: {  	(pc) =	sbr.rel $0x88, $3  }
0x1: {  	(tag) =	ssettag $0x0;
	lr =	simm.s32 $0x1  }
0x2: {  	[smem:$0x3FA0] =	sst lr;
	_ =	strace $0xD0000000  }
0x3: {  	_ = 	snop  }
0x4: {  	_ = 	snop  }
0x5: {  	_ = 	snop  }
0x6: {  	_ = 	snop  }
0x7: {  	_ = 	snop  }
__scs_overlays_trampoline_lowered:
0x8: {  	[smem:$0x3FAF] =	sst s0  }
0x9: {  	[smem:$0x3FB0] =	sst s1  }
0xa: {  	[smem:$0x3FB1] =	sst s2  }
0xb: {  	[smem:$0x3FB2] =	sst s3  }
0xc: {  	[smem:$0x3FB3] =	sst s4  }
0xd: {  	[smem:$0x3FB4] =	sst s5  }
0xe: {  	[smem:$0x3FB5] =	sst s6  }
0xf: {  	[smem:$0x3FB6] =	sst s7  }
0x10: {  	[smem:$0x3FB7] =	sst s8  }
0x11: {  	[smem:$0x3FB8] =	sst s9;
	s0 =	simm.s32 @!p0 $0x0  }
0x12: {  	s1 =	sld [smem:$0x3F9E];
	s0 =	simm.s32 @p0 $0x1  }
0x13: {  	[smem:$0x3FB9] =	sst s0;
	s0 =	simm.s32 @!p1 $0x0  }
0x14: {  	s2 =	sld [smem:$0x3F9D];
	s0 =	simm.s32 @p1 $0x1  }
0x15: {  	[smem:$0x3FBA] =	sst s0;
	s0 =	simm.s32 @!p2 $0x0  }
0x16: {  	s3 =	sld [smem:$0x3FDB];
	s0 =	simm.s32 @p2 $0x1  }
0x17: {  	s4 =	simm.s32 $0x1BF5;
	[smem:$0x3FBC] =	sst s0  }
0x18: {  	s0 =	sld [smem:$0x3F9F];
	_ =	swait.ge [sflag:s4], $0x0  }
0x19: {  	s7 =	sld [smem:$0x3FA0]  }
0x1a: {  	s8 =	sadd.s32 $0xFFFFE003, lr  }
0x1b: {  	s9 =	sadd.s32 $0xFFFFFEF7, lr;
	s5 =	simm.s32 $0xFFFFFFFF;
	p2 =	slt.u32 s8, $0xFFFFF086  }
0x1c: {  	p1 =	slt.u32 s9, $0xF7A;
	s5 =	simm.s32 @!p2 $0x0  }
0x1d: {  	s5 =	simm.s32 @p1 $0x1;
	p0 =	seq.s32 s7, s2  }
0x1e: {  	s7 =	smul.u32 @!p0 $0xF7A, s2;
	p2 =	seq.s32 @!p0 s5, $0x0  }
0x1f: {  	s9 =	smul.u32 $0xF7A, s1;
	s8 =	simm.s32 @!p0 $0x1BF5;
	p2 =	por !p2, p0  }
0x20: {  	[sflag:s8] =	ssyncset.s32 @!p0 $0xFFFFF086;
	s6 =	sadd.s32 @!p0 s3, s7;
	s7 =	simm.s32 @!p0 $0x108  }
0x21: {  	s3 =	sadd.s32 s3, s9;
	s6 =	sadd.s32 @!p0 $0x88, s6;
	s7 =	simm.s32 @p2 $0x1082  }
0x22: {  	[simem:s7], [sflag:s8] =	dma.local @!p0 [hbm:s6], $0xF7A  }
0x23: {  	s9 =	sor.u32 $0xD0000000, s2;
	s6 =	simm.s32 $0x108;
	_ =	swait.ge @!p0 [sflag:s8], $0x0  }
0x24: {  	s3 =	sadd.s32 $0x88, s3;
	s6 =	simm.s32 @!p1 $0x1082;
	[sflag:s4] =	ssyncset.s32 $0xFFFFF086  }
0x25: {  	[simem:s6], [sflag:s4] =	dma.local [hbm:s3], $0xF7A  }
0x26: {  	[smem:$0x3FA0] =	sst s1;
	(tag) =	ssettag s2;
	_ =	strace s9  }
0x27: {  	s1 =	sld [smem:$0x3FB0]  }
0x28: {  	s2 =	sld [smem:$0x3FB1]  }
0x29: {  	s4 =	sld [smem:$0x3FB3]  }
0x2a: {  	p0 =	seq.s32 s5, $0x0;
	s5 =	sld [smem:$0x3FB4]  }
0x2b: {  	s6 =	sld [smem:$0x3FB5]  }
0x2c: {  	s7 =	sld [smem:$0x3FB6]  }
0x2d: {  	s3 =	simm.s32 $0x108;
	s8 =	sld [smem:$0x3FB7]  }
0x2e: {  	s3 =	simm.s32 @!p0 $0x1082;
	s9 =	sld [smem:$0x3FB8]  }
0x2f: {  	lr =	sadd.s32 s0, s3;
	s0 =	sld [smem:$0x3FAF]  }
0x30: {  	s3 =	sld [smem:$0x3FB2]  }
0x31: {  	[smem:$0x3FBB] =	sst s10  }
0x32: {  	s10 =	sld [smem:$0x3FB9];
	_ =	sdelay $0x3  }
0x33: {  	p0 =	seq.s32 s10, $0x1;
	s10 =	sld [smem:$0x3FBB];
	_ =	sdelay $0x3  }
0x34: {  	[smem:$0x3FBB] =	sst s10  }
0x35: {  	s10 =	sld [smem:$0x3FBA];
	_ =	sdelay $0x3  }
0x36: {  	p1 =	seq.s32 s10, $0x1;
	s10 =	sld [smem:$0x3FBB];
	_ =	sdelay $0x3  }
0x37: {  	[smem:$0x3FBB] =	sst s10  }
0x38: {  	s10 =	sld [smem:$0x3FBC]  }
0x39: {  	_ = 	snop;
	(pc) =	sbr.ind lr, $3  }
0x3a: {  	_ = 	snop  }
0x3b: {  	_ = 	snop  }
0x3c: {  	p2 =	seq.s32 s10, $0x1;
	s10 =	sld [smem:$0x3FBB]  }
0x3d: {  	_ =	shalt  }
0x3e: {  	_ =	shalt  }
0x3f: {  	_ =	shalt  }
0x40: {  	_ =	shalt  }
0x41: {  	_ =	shalt  }
0x42: {  	_ =	shalt  }
0x43: {  	_ =	shalt  }
0x44: {  	_ =	shalt  }
0x45: {  	_ =	shalt  }
0x46: {  	_ =	shalt  }
0x47: {  	_ =	shalt  }
0x48: {  	_ =	shalt  }
0x49: {  	_ =	shalt  }
0x4a: {  	_ =	shalt  }
0x4b: {  	_ =	shalt  }
0x4c: {  	_ =	shalt  }
0x4d: {  	_ =	shalt  }
0x4e: {  	_ =	shalt  }
0x4f: {  	_ =	shalt  }
0x50: {  	_ =	shalt  }
0x51: {  	_ =	shalt  }
0x52: {  	_ =	shalt  }
0x53: {  	_ =	shalt  }
0x54: {  	_ =	shalt  }
0x55: {  	_ =	shalt  }
0x56: {  	_ =	shalt  }
0x57: {  	_ =	shalt  }
0x58: {  	_ =	shalt  }
0x59: {  	_ =	shalt  }
0x5a: {  	_ =	shalt  }
0x5b: {  	_ =	shalt  }
0x5c: {  	_ =	shalt  }
0x5d: {  	_ =	shalt  }
0x5e: {  	_ =	shalt  }
0x5f: {  	_ =	shalt  }
0x60: {  	_ =	shalt  }
0x61: {  	_ =	shalt  }
0x62: {  	_ =	shalt  }
0x63: {  	_ =	shalt  }
0x64: {  	_ =	shalt  }
0x65: {  	_ =	shalt  }
0x66: {  	_ =	shalt  }
0x67: {  	_ =	shalt  }
0x68: {  	_ =	shalt  }
0x69: {  	_ =	shalt  }
0x6a: {  	_ =	shalt  }
0x6b: {  	_ =	shalt  }
0x6c: {  	_ =	shalt  }
0x6d: {  	_ =	shalt  }
0x6e: {  	_ =	shalt  }
0x6f: {  	_ =	shalt  }
0x70: {  	_ =	shalt  }
0x71: {  	_ =	shalt  }
0x72: {  	_ =	shalt  }
0x73: {  	_ =	shalt  }
0x74: {  	_ =	shalt  }
0x75: {  	_ =	shalt  }
0x76: {  	_ =	shalt  }
0x77: {  	_ =	shalt  }
0x78: {  	_ =	shalt  }
0x79: {  	_ =	shalt  }
0x7a: {  	_ =	shalt  }
0x7b: {  	_ =	shalt  }
0x7c: {  	_ =	shalt  }
0x7d: {  	_ =	shalt  }
0x7e: {  	_ =	shalt  }
0x7f: {  	_ =	shalt  }
0x80: {  	_ =	shalt  }
0x81: {  	_ =	shalt  }
0x82: {  	_ =	shalt  }
0x83: {  	_ =	shalt  }
0x84: {  	_ =	shalt  }
0x85: {  	_ =	shalt  }
0x86: {  	_ =	shalt  }
0x87: {  	_ =	shalt  }
.Lfunc_end0:
.L_simem_size_0:
called_computation_lowered:
.L_overlay_start_0:
0x88: {  	s2 =	sld [smem:$0x3FD9]  }
0x89: {  	s3 =	sld [smem:$0x3FFE];
	_ =	sdelay $0x1  }
0x8a: {  	s1 =	srdreg.scid  }
0x8b: {  	s0 =	sand.u32 $0x1, s1  }
0x8c: {  	s17 =	sshll.u32 s0, $0xA;
	s2 =	sadd.s32 s3, s2  }
0x8d: {  	s2 =	sadd.s32 s2, s17  }
0x8e: {  	[smem:$0x3FC7] =	sst s2  }
0x8f: {  	_ = 	snop  }
0x90: {  	s2 =	sld [smem:$0x3FD0];
	(tm) =	ssettm $0x1  }
0x91: {  	s18 =	sld [smem:$0x3FFB];
	_ =	sdelay $0x3  }
0x92: {  	_ =	strace s18  }
0x93: {  	s3 =	sld [smem:$0x3FFC];
	_ =	sdelay $0x3  }
0x94: {  	_ =	strace s3  }
0x95: {  	s3 =	sld [smem:$0x3FFD];
	_ =	sdelay $0x3  }
0x96: {  	_ =	strace s3  }
0x97: {  	_ =	strace $0x8FFFFFFF  }
0x98: {  	s19 =	sld [smem:$0x3FDB];
	_ =	sdelay $0x1  }
0x99: {  	s4 =	simm.s32 $_scs_section_size  }
0x9a: {  	s5 =	simm.s32 $_size__tile_overlayer_lowered;
	s6 =	simm.s32 $_tile_overlayer_lowered  }
0x9b: {  	s22 =	simm.s32 $0x1BFF;
	s21 =	sshll.u32 s6, $0x1;
	s3 =	sadd.s32 s4, s19  }
0x9c: {  	s7 =	simm.s32 $0x0;
	s20 =	sshll.u32 s5, $0x1;
	s5 =	sadd.s32 s21, s3  }
0x9d: {  	[timem:s7], [sflag:s22] =	dma.local [hbm:s5], s20  }
0x9e: {  	_ =	swait.ge [sflag:s22], s20  }
0x9f: {  	s4 =	ssub.s32 $0x0, s20;
	[sflag:s22] =	ssyncset.done $0x0  }
0xa0: {  	[sflag:s22] =	ssyncadd.s32 s4;
	_ =	sdelay $0x1  }
0xa1: {  	s23 =	simm.s32 $0x1B8B  }
0xa2: {  	_ =	swait.ge [sflag:s23], $0x1  }
0xa3: {  	[sflag:s23] =	ssyncset.done $0x0  }
0xa4: {  	s25 =	simm.s32 $0x1B8E;
	s24 =	sld [smem:$0x3FFE];
	[sflag:s23] =	ssyncadd.s32 $0xFFFFFFFF  }
0xa5: {  	s26 =	simm.s32 $execute0_lowered;
	[smem:$0x3FD2] =	sst s25  }
0xa6: {  	s5 =	sshll.u32 s26, $0x1;
	_ =	strace $0x80000046;
	[dreg:$0x1] =	wrdreg $0xFFFFFFFF  }
0xa7: {  	s28 =	simm.s32 $_size_execute0_lowered;
	s3 =	sadd.s32 s3, s5;
	[dreg:$0x0] =	wrdreg $0x0  }
0xa8: {  	s5 =	sshll.u32 s28, $0x1;
	[dreg:$0x2] =	wrdreg s3  }
0xa9: {  	[dreg:$0x3] =	wrdreg s5  }
0xaa: {  	[dreg:$0x4] =	wrdreg $0xC0  }
0xab: {  	_ =	task [dreg:s7], $0x5FFFF  }
0xac: {  	[dreg:$0x1] =	wrdreg $0xFFFFFFFF  }
0xad: {  	[dreg:$0x0] =	wrdreg $0x60  }
0xae: {  	[dreg:$0x2] =	wrdreg s24  }
0xaf: {  	[dreg:$0x3] =	wrdreg s2  }
0xb0: {  	[dreg:$0x4] =	wrdreg $0x9  }
0xb1: {  	_ =	task.clear_ibuf [dreg:s7], $0x5FFFF;
	_ =	strace $0x90000046  }
0xb2: {  	s29 =	simm.s32 $0x9;
	_ =	strace $0x80000048  }
0xb3: {  	_ =	swait.ge [sflag:s29], $0x1  }
0xb4: {  	[sflag:s29] =	ssyncadd.s32 $0xFFFFFFFF  }
0xb5: {  	_ =	strace $0x90000048  }
0xb6: {  	_ =	sfence  }
0xb7: {  	s30 =	sld [smem:$0x0];
	_ =	sdelay $0x2  }
0xb8: {  	s31 =	sshll.u32 s1, $0xD;
	s1 =	sshrl.u32 s1, $0x2  }
0xb9: {  	s3 =	sand.u32 $0x4000, s31;
	s1 =	sadd.s32 s1, s30  }
0xba: {  	s0 =	sor.u32 s3, s0;
	s1 =	sshll.u32 s1, $0x11  }
0xbb: {  	s0 =	sor.u32 s1, s0  }
0xbc: {  	s0 =	sadd.s32 $0x8F2B, s0  }
0xbd: {  	[sflag:s0] =	ssyncadd.remote.s32 $0x1  }
0xbe: {  	_ =	sfence.sel $0xFFFF  }
0xbf: {  	[dreg:$0x0] =	wrdreg $0xFFFFFFFF;
	(pc) =	sbr.abs _section_cstart, $3  }
0xc0: {  	[dreg:$0x1] =	wrdreg $0xFFFFFFFF  }
0xc1: {  	_ =	task.clear_ibuf [dreg:s7], $0x2FFFF;
	_ =	strace $0x9FFFFFFF  }
0xc2: {  	(tm) =	ssettm $0x7FFFFFFF  }
0xc3: {  	_ =	shalt  }
tec
execute0_lowered:
.L_overlay_start_1:
0x0: {  	(tag) =	ssettag $0x1  }
0x1: {  	s0 =	rddreg [dreg:$0x0]  }
0x2: {  	s1 =	rddreg [dreg:$0x1];
	s7 =	stileid.u32  }
0x3: {  	s4 =	srdreg.scid;
	s2 =	simm.s32 $0x0;
	s31 =	simm.s32 $0x10000  }
0x4: {  	s3 =	sshll.u32 s7, $0x7;
	s4 =	sand.u32 $0x1, s4;
	s7 =	sshll.u32 s7, $0xF  }
0x5: {  	[smem:$0x7FF] =	sst s2;
	s3 =	sadd.s32 s3, s0;
	s5 =	sshll.u32 s4, $0xB  }
0x6: {  	s6 =	sshll.u32 s4, $0x13;
	_ =	strace $0x80000047;
	s3 =	sadd.s32 s5, s3  }
0x7: {  	[dreg:$0xb] =	wrdreg s31;
	s22 =	sor.u32 s7, s6;
	s3 =	sadd.s32 $0x800, s3  }
0x8: {  	s10 =	simm.s32 $0x1;
	s5 =	sadd.s32 s1, s22;
	[dreg:$0x3] =	wrdreg s3  }
0x9: {  	s11 =	simm.s32 $0x3;
	s1 =	sadd.s32 $0x1000, s5;
	[dreg:$0xc] =	wrdreg s5  }
0xa: {  	s12 =	simm.s32 $0x2;
	s23 =	sadd.s32 $0x2000, s5;
	[dreg:$0x4] =	wrdreg s1  }
0xb: {  	s13 =	simm.s32 $0x4;
	s24 =	sadd.s32 $0x3000, s5;
	[dreg:$0x5] =	wrdreg s23  }
0xc: {  	s28 =	ssub.s32 $0x2, s4;
	s25 =	sadd.s32 $0x4000, s5;
	[dreg:$0x6] =	wrdreg s24  }
0xd: {  	s4 =	sshrl.u32 s28, $0x1;
	s26 =	sadd.s32 $0x5000, s5;
	[dreg:$0x7] =	wrdreg s25  }
0xe: {  	v2 =	vlaneseq.u32;
	s29 =	sadd.s32 $0x6000, s5;
	s30 =	sadd.s32 $0x7000, s5;
	[dreg:$0x8] =	wrdreg s26  }
0xf: {  	vm0 =	vmmov $0xffff;
	v1 =	vshrl.u32 v2, $0x3;
	s3 =	ssub.s32 s28, s4;
	s4 =	sadd.s32 $0x1800, s0;
	[dreg:$0x9] =	wrdreg s29  }
0x10: {  	v0 =	vand.u32 $0x7, v2;
	v2 =	vor.u32 $0x8, v2;
	v1 =	vmul.u32 $0x8, v1;
	[dreg:$0xa] =	wrdreg s30;
	s5 =	smax.u32 s3, $0x1;
	s25 =	simm.s32 $0x8000  }
.LBB2_1:
0x11: {  	s14 =	rddreg [dreg:$0x3]  }
0x12: {  	s15 =	rddreg [dreg:$0xb];
	s26 =	simm.s32 $0x5  }
0x13: {  	[tilespmem:s15], [sflag:$0x5] =	stream.linear.gather [hbm4b:s14+s2], $0x400, $0x38;
	[tilespmem:$0x10400] =	vst v63  }
0x14: {  	_ =	swait.ge [sflag:s26], $0x400  }
0x15: {  	[sflag:s26] =	ssyncset.done $0x0  }
0x16: {  	[sflag:s26] =	ssyncadd.s32 $0xFFFFFC00  }
0x17: {  	v3 =	vld [tilespmem:$0x10000];
	_ =	sdelay $0x4  }
0x18: {  	v4 =	vshll.u32 v3, $0x1  }
0x19: {  	v3 =	vand.u32 $0x7, v3;
	v4 =	vand.u32 $0xFFFFFFF0, v4  }
0x1a: {  	v3 =	vor.u32 v3, v4  }
0x1b: {  	v4 =	vperm.xlane v3, v0;
	_ =	sdelay $0x1  }
0x1c: {  	v3 =	vperm.xlane v3, v2;
	v4 =	vadd.s32 v1, v4;
	_ =	sdelay $0x1  }
0x1d: {  	v3 =	vadd.s32 v1, v3;
	_ =	sdelay $0x2  }
0x1e: {  	[tilespmem:s2], [sflag:$0x1] =	stream.indirect_vreg.gather [hbm4b:s4+s2], $0x80, v4, vm0, $0xb8;
	[tilespmem:$0x10400] =	vst v63  }
0x1f: {  	s0 =	simm.s32 $0x800  }
0x20: {  	[tilespmem:s0], [sflag:$0x1] =	stream.indirect_vreg.gather [hbm4b:s4+s2], $0x80, v3, vm0, $0xb8;
	[tilespmem:$0x10400] =	vst v63  }
0x21: {  	v3 =	vld [tilespmem:$0x10010];
	_ =	sdelay $0x4  }
0x22: {  	v57 =	vshll.u32 v3, $0x1  }
0x23: {  	v3 =	vand.u32 $0x7, v3;
	v4 =	vand.u32 $0xFFFFFFF0, v57  }
0x24: {  	v3 =	vor.u32 v3, v4  }
0x25: {  	v4 =	vperm.xlane v3, v0;
	_ =	sdelay $0x1  }
0x26: {  	v3 =	vperm.xlane v3, v2;
	v4 =	vadd.s32 v1, v4;
	_ =	sdelay $0x1  }
0x27: {  	v3 =	vadd.s32 v1, v3;
	_ =	sdelay $0x1  }
0x28: {  	s28 =	simm.s32 $0x1000  }
0x29: {  	[tilespmem:s28], [sflag:$0x1] =	stream.indirect_vreg.gather [hbm4b:s4+s2], $0x80, v4, vm0, $0xb8;
	[tilespmem:$0x10400] =	vst v63  }
0x2a: {  	s29 =	simm.s32 $0x1800  }
0x2b: {  	[tilespmem:s29], [sflag:$0x1] =	stream.indirect_vreg.gather [hbm4b:s4+s2], $0x80, v3, vm0, $0xb8;
	[tilespmem:$0x10400] =	vst v63  }
0x2c: {  	v3 =	vld [tilespmem:$0x10020];
	_ =	sdelay $0x4  }
0x2d: {  	v58 =	vshll.u32 v3, $0x1  }
0x2e: {  	v3 =	vand.u32 $0x7, v3;
	v4 =	vand.u32 $0xFFFFFFF0, v58  }
0x2f: {  	v3 =	vor.u32 v3, v4  }
0x30: {  	v4 =	vperm.xlane v3, v0;
	_ =	sdelay $0x1  }
0x31: {  	v3 =	vperm.xlane v3, v2;
	v4 =	vadd.s32 v1, v4;
	_ =	sdelay $0x1  }
0x32: {  	v3 =	vadd.s32 v1, v3;
	_ =	sdelay $0x1  }
0x33: {  	s30 =	simm.s32 $0x2000  }
0x34: {  	[tilespmem:s30], [sflag:$0x1] =	stream.indirect_vreg.gather [hbm4b:s4+s2], $0x80, v4, vm0, $0xb8;
	[tilespmem:$0x10400] =	vst v63  }
0x35: {  	s31 =	simm.s32 $0x2800  }
0x36: {  	[tilespmem:s31], [sflag:$0x1] =	stream.indirect_vreg.gather [hbm4b:s4+s2], $0x80, v3, vm0, $0xb8;
	[tilespmem:$0x10400] =	vst v63  }
0x37: {  	v3 =	vld [tilespmem:$0x10030];
	_ =	sdelay $0x4  }
0x38: {  	v59 =	vshll.u32 v3, $0x1  }
0x39: {  	v3 =	vand.u32 $0x7, v3;
	v4 =	vand.u32 $0xFFFFFFF0, v59  }
0x3a: {  	v3 =	vor.u32 v3, v4  }
0x3b: {  	v4 =	vperm.xlane v3, v0;
	_ =	sdelay $0x1  }
0x3c: {  	v3 =	vperm.xlane v3, v2;
	v4 =	vadd.s32 v1, v4;
	_ =	sdelay $0x1  }
0x3d: {  	v3 =	vadd.s32 v1, v3;
	_ =	sdelay $0x1  }
0x3e: {  	s1 =	simm.s32 $0x3000  }
0x3f: {  	[tilespmem:s1], [sflag:$0x1] =	stream.indirect_vreg.gather [hbm4b:s4+s2], $0x80, v4, vm0, $0xb8;
	[tilespmem:$0x10400] =	vst v63  }
0x40: {  	s9 =	simm.s32 $0x3800  }
0x41: {  	[tilespmem:s9], [sflag:$0x1] =	stream.indirect_vreg.gather [hbm4b:s4+s2], $0x80, v3, vm0, $0xb8;
	[tilespmem:$0x10400] =	vst v63  }
0x42: {  	v3 =	vld [tilespmem:$0x10040];
	_ =	sdelay $0x4  }
0x43: {  	v60 =	vshll.u32 v3, $0x1  }
0x44: {  	v3 =	vand.u32 $0x7, v3;
	v4 =	vand.u32 $0xFFFFFFF0, v60  }
0x45: {  	v3 =	vor.u32 v3, v4  }
0x46: {  	v4 =	vperm.xlane v3, v0;
	_ =	sdelay $0x1  }
0x47: {  	v3 =	vperm.xlane v3, v2;
	v4 =	vadd.s32 v1, v4;
	_ =	sdelay $0x1  }
0x48: {  	v3 =	vadd.s32 v1, v3;
	_ =	sdelay $0x1  }
0x49: {  	s14 =	simm.s32 $0x4000  }
0x4a: {  	[tilespmem:s14], [sflag:$0x1] =	stream.indirect_vreg.gather [hbm4b:s4+s2], $0x80, v4, vm0, $0xb8;
	[tilespmem:$0x10400] =	vst v63  }
0x4b: {  	s15 =	simm.s32 $0x4800  }
0x4c: {  	[tilespmem:s15], [sflag:$0x1] =	stream.indirect_vreg.gather [hbm4b:s4+s2], $0x80, v3, vm0, $0xb8;
	[tilespmem:$0x10400] =	vst v63  }
0x4d: {  	v3 =	vld [tilespmem:$0x10050];
	_ =	sdelay $0x4  }
0x4e: {  	v61 =	vshll.u32 v3, $0x1  }
0x4f: {  	v3 =	vand.u32 $0x7, v3;
	v4 =	vand.u32 $0xFFFFFFF0, v61  }
0x50: {  	v3 =	vor.u32 v3, v4  }
0x51: {  	v4 =	vperm.xlane v3, v0;
	_ =	sdelay $0x1  }
0x52: {  	v3 =	vperm.xlane v3, v2;
	v4 =	vadd.s32 v1, v4;
	_ =	sdelay $0x1  }
0x53: {  	v3 =	vadd.s32 v1, v3;
	_ =	sdelay $0x1  }
0x54: {  	s16 =	simm.s32 $0x5000  }
0x55: {  	[tilespmem:s16], [sflag:$0x1] =	stream.indirect_vreg.gather [hbm4b:s4+s2], $0x80, v4, vm0, $0xb8;
	[tilespmem:$0x10400] =	vst v63  }
0x56: {  	s17 =	simm.s32 $0x5800  }
0x57: {  	[tilespmem:s17], [sflag:$0x1] =	stream.indirect_vreg.gather [hbm4b:s4+s2], $0x80, v3, vm0, $0xb8;
	[tilespmem:$0x10400] =	vst v63  }
0x58: {  	v3 =	vld [tilespmem:$0x10060];
	_ =	sdelay $0x4  }
0x59: {  	v62 =	vshll.u32 v3, $0x1  }
0x5a: {  	v3 =	vand.u32 $0x7, v3;
	v4 =	vand.u32 $0xFFFFFFF0, v62  }
0x5b: {  	v3 =	vor.u32 v3, v4  }
0x5c: {  	v4 =	vperm.xlane v3, v0;
	_ =	sdelay $0x1  }
0x5d: {  	v3 =	vperm.xlane v3, v2;
	v4 =	vadd.s32 v1, v4;
	_ =	sdelay $0x1  }
0x5e: {  	v3 =	vadd.s32 v1, v3;
	_ =	sdelay $0x1  }
0x5f: {  	s18 =	simm.s32 $0x6000  }
0x60: {  	[tilespmem:s18], [sflag:$0x1] =	stream.indirect_vreg.gather [hbm4b:s4+s2], $0x80, v4, vm0, $0xb8;
	[tilespmem:$0x10400] =	vst v63  }
0x61: {  	s19 =	simm.s32 $0x6800  }
0x62: {  	[tilespmem:s19], [sflag:$0x1] =	stream.indirect_vreg.gather [hbm4b:s4+s2], $0x80, v3, vm0, $0xb8;
	[tilespmem:$0x10400] =	vst v63  }
0x63: {  	v3 =	vld [tilespmem:$0x10070];
	_ =	sdelay $0x4  }
0x64: {  	v63 =	vshll.u32 v3, $0x1  }
0x65: {  	v3 =	vand.u32 $0x7, v3;
	v4 =	vand.u32 $0xFFFFFFF0, v63  }
0x66: {  	v3 =	vor.u32 v3, v4  }
0x67: {  	v4 =	vperm.xlane v3, v0;
	_ =	sdelay $0x1  }
0x68: {  	v3 =	vperm.xlane v3, v2;
	v4 =	vadd.s32 v1, v4;
	_ =	sdelay $0x1  }
0x69: {  	v3 =	vadd.s32 v1, v3;
	_ =	sdelay $0x1  }
0x6a: {  	s20 =	simm.s32 $0x7000  }
0x6b: {  	[tilespmem:s20], [sflag:$0x1] =	stream.indirect_vreg.gather [hbm4b:s4+s2], $0x80, v4, vm0, $0xb8;
	[tilespmem:$0x10400] =	vst v63  }
0x6c: {  	s21 =	simm.s32 $0x7800  }
0x6d: {  	[tilespmem:s21], [sflag:$0x1] =	stream.indirect_vreg.gather [hbm4b:s4+s2], $0x80, v3, vm0, $0xb8;
	[tilespmem:$0x10400] =	vst v63  }
0x6e: {  	v3 =	vld [tilespmem:$0x10080];
	_ =	sdelay $0x4  }
0x6f: {  	v8 =	vshll.u32 v3, $0x1  }
0x70: {  	v3 =	vand.u32 $0x7, v3;
	v4 =	vand.u32 $0xFFFFFFF0, v8  }
0x71: {  	v3 =	vor.u32 v3, v4  }
0x72: {  	v4 =	vperm.xlane v3, v0;
	_ =	sdelay $0x1  }
0x73: {  	v3 =	vperm.xlane v3, v2;
	v4 =	vadd.s32 v1, v4;
	_ =	sdelay $0x1  }
0x74: {  	v3 =	vadd.s32 v1, v3;
	_ =	sdelay $0x2  }
0x75: {  	[tilespmem:s25], [sflag:$0x2] =	stream.indirect_vreg.gather [hbm4b:s4+s2], $0x80, v4, vm0, $0xb8;
	[tilespmem:$0x10400] =	vst v63  }
0x76: {  	s22 =	simm.s32 $0x8800  }
0x77: {  	[tilespmem:s22], [sflag:$0x2] =	stream.indirect_vreg.gather [hbm4b:s4+s2], $0x80, v3, vm0, $0xb8;
	[tilespmem:$0x10400] =	vst v63  }
0x78: {  	v3 =	vld [tilespmem:$0x10090];
	_ =	sdelay $0x4  }
0x79: {  	v9 =	vshll.u32 v3, $0x1  }
0x7a: {  	v3 =	vand.u32 $0x7, v3;
	v4 =	vand.u32 $0xFFFFFFF0, v9  }
0x7b: {  	v3 =	vor.u32 v3, v4  }
0x7c: {  	v4 =	vperm.xlane v3, v0;
	_ =	sdelay $0x1  }
0x7d: {  	v3 =	vperm.xlane v3, v2;
	v4 =	vadd.s32 v1, v4;
	_ =	sdelay $0x1  }
0x7e: {  	v3 =	vadd.s32 v1, v3;
	_ =	sdelay $0x1  }
0x7f: {  	s23 =	simm.s32 $0x9000  }
0x80: {  	[tilespmem:s23], [sflag:$0x2] =	stream.indirect_vreg.gather [hbm4b:s4+s2], $0x80, v4, vm0, $0xb8;
	[tilespmem:$0x10400] =	vst v63  }
0x81: {  	s24 =	simm.s32 $0x9800  }
0x82: {  	[tilespmem:s24], [sflag:$0x2] =	stream.indirect_vreg.gather [hbm4b:s4+s2], $0x80, v3, vm0, $0xb8;
	[tilespmem:$0x10400] =	vst v63  }
0x83: {  	v3 =	vld [tilespmem:$0x100A0];
	_ =	sdelay $0x4  }
0x84: {  	v10 =	vshll.u32 v3, $0x1  }
0x85: {  	v3 =	vand.u32 $0x7, v3;
	v4 =	vand.u32 $0xFFFFFFF0, v10  }
0x86: {  	v3 =	vor.u32 v3, v4  }
0x87: {  	v4 =	vperm.xlane v3, v0;
	_ =	sdelay $0x1  }
0x88: {  	v3 =	vperm.xlane v3, v2;
	v4 =	vadd.s32 v1, v4;
	_ =	sdelay $0x1  }
0x89: {  	v3 =	vadd.s32 v1, v3;
	_ =	sdelay $0x1  }
0x8a: {  	s26 =	simm.s32 $0xA000  }
0x8b: {  	[tilespmem:s26], [sflag:$0x2] =	stream.indirect_vreg.gather [hbm4b:s4+s2], $0x80, v4, vm0, $0xb8;
	[tilespmem:$0x10400] =	vst v63  }
0x8c: {  	s28 =	simm.s32 $0xA800  }
0x8d: {  	[tilespmem:s28], [sflag:$0x2] =	stream.indirect_vreg.gather [hbm4b:s4+s2], $0x80, v3, vm0, $0xb8;
	[tilespmem:$0x10400] =	vst v63  }
0x8e: {  	v3 =	vld [tilespmem:$0x100B0];
	_ =	sdelay $0x4  }
0x8f: {  	v11 =	vshll.u32 v3, $0x1  }
0x90: {  	v3 =	vand.u32 $0x7, v3;
	v4 =	vand.u32 $0xFFFFFFF0, v11  }
0x91: {  	v3 =	vor.u32 v3, v4  }
0x92: {  	v4 =	vperm.xlane v3, v0;
	_ =	sdelay $0x1  }
0x93: {  	v3 =	vperm.xlane v3, v2;
	v4 =	vadd.s32 v1, v4;
	_ =	sdelay $0x1  }
0x94: {  	v3 =	vadd.s32 v1, v3;
	_ =	sdelay $0x1  }
0x95: {  	s29 =	simm.s32 $0xB000  }
0x96: {  	[tilespmem:s29], [sflag:$0x2] =	stream.indirect_vreg.gather [hbm4b:s4+s2], $0x80, v4, vm0, $0xb8;
	[tilespmem:$0x10400] =	vst v63  }
0x97: {  	s30 =	simm.s32 $0xB800  }
0x98: {  	[tilespmem:s30], [sflag:$0x2] =	stream.indirect_vreg.gather [hbm4b:s4+s2], $0x80, v3, vm0, $0xb8;
	[tilespmem:$0x10400] =	vst v63  }
0x99: {  	v3 =	vld [tilespmem:$0x100C0];
	_ =	sdelay $0x4  }
0x9a: {  	v12 =	vshll.u32 v3, $0x1  }
0x9b: {  	v3 =	vand.u32 $0x7, v3;
	v4 =	vand.u32 $0xFFFFFFF0, v12  }
0x9c: {  	v3 =	vor.u32 v3, v4  }
0x9d: {  	v4 =	vperm.xlane v3, v0;
	_ =	sdelay $0x1  }
0x9e: {  	v3 =	vperm.xlane v3, v2;
	v4 =	vadd.s32 v1, v4;
	_ =	sdelay $0x1  }
0x9f: {  	v3 =	vadd.s32 v1, v3;
	_ =	sdelay $0x1  }
0xa0: {  	s31 =	simm.s32 $0xC000  }
0xa1: {  	[tilespmem:s31], [sflag:$0x2] =	stream.indirect_vreg.gather [hbm4b:s4+s2], $0x80, v4, vm0, $0xb8;
	[tilespmem:$0x10400] =	vst v63  }
0xa2: {  	s0 =	simm.s32 $0xC800  }
0xa3: {  	[tilespmem:s0], [sflag:$0x2] =	stream.indirect_vreg.gather [hbm4b:s4+s2], $0x80, v3, vm0, $0xb8;
	[tilespmem:$0x10400] =	vst v63  }
0xa4: {  	v3 =	vld [tilespmem:$0x100D0];
	_ =	sdelay $0x4  }
0xa5: {  	v13 =	vshll.u32 v3, $0x1  }
0xa6: {  	v3 =	vand.u32 $0x7, v3;
	v4 =	vand.u32 $0xFFFFFFF0, v13  }
0xa7: {  	v3 =	vor.u32 v3, v4  }
0xa8: {  	v4 =	vperm.xlane v3, v0;
	_ =	sdelay $0x1  }
0xa9: {  	v3 =	vperm.xlane v3, v2;
	v4 =	vadd.s32 v1, v4;
	_ =	sdelay $0x1  }
0xaa: {  	v3 =	vadd.s32 v1, v3;
	_ =	sdelay $0x1  }
0xab: {  	s15 =	simm.s32 $0xD000  }
0xac: {  	[tilespmem:s15], [sflag:$0x2] =	stream.indirect_vreg.gather [hbm4b:s4+s2], $0x80, v4, vm0, $0xb8;
	[tilespmem:$0x10400] =	vst v63  }
0xad: {  	s17 =	simm.s32 $0xD800  }
0xae: {  	[tilespmem:s17], [sflag:$0x2] =	stream.indirect_vreg.gather [hbm4b:s4+s2], $0x80, v3, vm0, $0xb8;
	[tilespmem:$0x10400] =	vst v63  }
0xaf: {  	v3 =	vld [tilespmem:$0x100E0];
	_ =	sdelay $0x4  }
0xb0: {  	v14 =	vshll.u32 v3, $0x1  }
0xb1: {  	v3 =	vand.u32 $0x7, v3;
	v4 =	vand.u32 $0xFFFFFFF0, v14  }
0xb2: {  	v3 =	vor.u32 v3, v4  }
0xb3: {  	v4 =	vperm.xlane v3, v0;
	_ =	sdelay $0x1  }
0xb4: {  	v3 =	vperm.xlane v3, v2;
	v4 =	vadd.s32 v1, v4;
	_ =	sdelay $0x1  }
0xb5: {  	v3 =	vadd.s32 v1, v3;
	_ =	sdelay $0x1  }
0xb6: {  	s18 =	simm.s32 $0xE000  }
0xb7: {  	[tilespmem:s18], [sflag:$0x2] =	stream.indirect_vreg.gather [hbm4b:s4+s2], $0x80, v4, vm0, $0xb8;
	[tilespmem:$0x10400] =	vst v63  }
0xb8: {  	s19 =	simm.s32 $0xE800  }
0xb9: {  	[tilespmem:s19], [sflag:$0x2] =	stream.indirect_vreg.gather [hbm4b:s4+s2], $0x80, v3, vm0, $0xb8;
	[tilespmem:$0x10400] =	vst v63  }
0xba: {  	v3 =	vld [tilespmem:$0x100F0];
	_ =	sdelay $0x4  }
0xbb: {  	v15 =	vshll.u32 v3, $0x1  }
0xbc: {  	v3 =	vand.u32 $0x7, v3;
	v4 =	vand.u32 $0xFFFFFFF0, v15  }
0xbd: {  	v3 =	vor.u32 v3, v4  }
0xbe: {  	v4 =	vperm.xlane v3, v0;
	_ =	sdelay $0x1  }
0xbf: {  	v3 =	vperm.xlane v3, v2;
	v4 =	vadd.s32 v1, v4;
	_ =	sdelay $0x1  }
0xc0: {  	v3 =	vadd.s32 v1, v3;
	_ =	sdelay $0x1  }
0xc1: {  	s22 =	simm.s32 $0xF000  }
0xc2: {  	[tilespmem:s22], [sflag:$0x2] =	stream.indirect_vreg.gather [hbm4b:s4+s2], $0x80, v4, vm0, $0xb8;
	[tilespmem:$0x10400] =	vst v63  }
0xc3: {  	s24 =	simm.s32 $0xF800  }
0xc4: {  	[tilespmem:s24], [sflag:$0x2] =	stream.indirect_vreg.gather [hbm4b:s4+s2], $0x80, v3, vm0, $0xb8;
	[tilespmem:$0x10400] =	vst v63  }
0xc5: {  	_ =	swait.ge [sflag:s10], $0x8000  }
0xc6: {  	[sflag:s10] =	ssyncset.done $0x0  }
0xc7: {  	s0 =	rddreg [dreg:$0xc];
	[sflag:s10] =	ssyncadd.s32 $0xFFFF8000  }
0xc8: {  	[hbm4b:s0+s2] =	stream.linear.scatter [tilespmem:s2], [sflag:$0x3], $0x8000, $0x38;
	[tilespmem:$0x10400] =	vst v63  }
0xc9: {  	_ =	swait.ge [sflag:s11], $0x8000  }
0xca: {  	[sflag:s11] =	ssyncset.done $0x0  }
0xcb: {  	[sflag:s11] =	ssyncadd.s32 $0xFFFF8000  }
0xcc: {  	v3 =	vld [tilespmem:$0x10100];
	_ =	sdelay $0x4  }
0xcd: {  	v16 =	vshll.u32 v3, $0x1  }
0xce: {  	v3 =	vand.u32 $0x7, v3;
	v4 =	vand.u32 $0xFFFFFFF0, v16  }
0xcf: {  	v3 =	vor.u32 v3, v4  }
0xd0: {  	v4 =	vperm.xlane v3, v0;
	_ =	sdelay $0x1  }
0xd1: {  	v3 =	vperm.xlane v3, v2;
	v4 =	vadd.s32 v1, v4;
	_ =	sdelay $0x1  }
0xd2: {  	v3 =	vadd.s32 v1, v3;
	_ =	sdelay $0x2  }
0xd3: {  	[tilespmem:s2], [sflag:$0x1] =	stream.indirect_vreg.gather [hbm4b:s4+s2], $0x80, v4, vm0, $0xb8;
	[tilespmem:$0x10400] =	vst v63  }
0xd4: {  	s7 =	simm.s32 $0x800  }
0xd5: {  	[tilespmem:s7], [sflag:$0x1] =	stream.indirect_vreg.gather [hbm4b:s4+s2], $0x80, v3, vm0, $0xb8;
	[tilespmem:$0x10400] =	vst v63  }
0xd6: {  	v3 =	vld [tilespmem:$0x10110];
	_ =	sdelay $0x4  }
0xd7: {  	v17 =	vshll.u32 v3, $0x1  }
0xd8: {  	v3 =	vand.u32 $0x7, v3;
	v4 =	vand.u32 $0xFFFFFFF0, v17  }
0xd9: {  	v3 =	vor.u32 v3, v4  }
0xda: {  	v4 =	vperm.xlane v3, v0;
	_ =	sdelay $0x1  }
0xdb: {  	v3 =	vperm.xlane v3, v2;
	v4 =	vadd.s32 v1, v4;
	_ =	sdelay $0x1  }
0xdc: {  	v3 =	vadd.s32 v1, v3;
	_ =	sdelay $0x1  }
0xdd: {  	s3 =	simm.s32 $0x1000  }
0xde: {  	[tilespmem:s3], [sflag:$0x1] =	stream.indirect_vreg.gather [hbm4b:s4+s2], $0x80, v4, vm0, $0xb8;
	[tilespmem:$0x10400] =	vst v63  }
0xdf: {  	s8 =	simm.s32 $0x1800  }
0xe0: {  	[tilespmem:s8], [sflag:$0x1] =	stream.indirect_vreg.gather [hbm4b:s4+s2], $0x80, v3, vm0, $0xb8;
	[tilespmem:$0x10400] =	vst v63  }
0xe1: {  	v3 =	vld [tilespmem:$0x10120];
	_ =	sdelay $0x4  }
0xe2: {  	v18 =	vshll.u32 v3, $0x1  }
0xe3: {  	v3 =	vand.u32 $0x7, v3;
	v4 =	vand.u32 $0xFFFFFFF0, v18  }
0xe4: {  	v3 =	vor.u32 v3, v4  }
0xe5: {  	v4 =	vperm.xlane v3, v0;
	_ =	sdelay $0x1  }
0xe6: {  	v3 =	vperm.xlane v3, v2;
	v4 =	vadd.s32 v1, v4;
	_ =	sdelay $0x1  }
0xe7: {  	v3 =	vadd.s32 v1, v3;
	_ =	sdelay $0x1  }
0xe8: {  	s6 =	simm.s32 $0x2000  }
0xe9: {  	[tilespmem:s6], [sflag:$0x1] =	stream.indirect_vreg.gather [hbm4b:s4+s2], $0x80, v4, vm0, $0xb8;
	[tilespmem:$0x10400] =	vst v63  }
0xea: {  	s22 =	simm.s32 $0x2800  }
0xeb: {  	[tilespmem:s22], [sflag:$0x1] =	stream.indirect_vreg.gather [hbm4b:s4+s2], $0x80, v3, vm0, $0xb8;
	[tilespmem:$0x10400] =	vst v63  }
0xec: {  	v3 =	vld [tilespmem:$0x10130];
	_ =	sdelay $0x4  }
0xed: {  	v19 =	vshll.u32 v3, $0x1  }
0xee: {  	v3 =	vand.u32 $0x7, v3;
	v4 =	vand.u32 $0xFFFFFFF0, v19  }
0xef: {  	v3 =	vor.u32 v3, v4  }
0xf0: {  	v4 =	vperm.xlane v3, v0;
	_ =	sdelay $0x1  }
0xf1: {  	v3 =	vperm.xlane v3, v2;
	v4 =	vadd.s32 v1, v4;
	_ =	sdelay $0x1  }
0xf2: {  	v3 =	vadd.s32 v1, v3;
	_ =	sdelay $0x1  }
0xf3: {  	s7 =	simm.s32 $0x3000  }
0xf4: {  	[tilespmem:s7], [sflag:$0x1] =	stream.indirect_vreg.gather [hbm4b:s4+s2], $0x80, v4, vm0, $0xb8;
	[tilespmem:$0x10400] =	vst v63  }
0xf5: {  	s9 =	simm.s32 $0x3800  }
0xf6: {  	[tilespmem:s9], [sflag:$0x1] =	stream.indirect_vreg.gather [hbm4b:s4+s2], $0x80, v3, vm0, $0xb8;
	[tilespmem:$0x10400] =	vst v63  }
0xf7: {  	v3 =	vld [tilespmem:$0x10140];
	_ =	sdelay $0x4  }
0xf8: {  	v20 =	vshll.u32 v3, $0x1  }
0xf9: {  	v3 =	vand.u32 $0x7, v3;
	v4 =	vand.u32 $0xFFFFFFF0, v20  }
0xfa: {  	v3 =	vor.u32 v3, v4  }
0xfb: {  	v4 =	vperm.xlane v3, v0;
	_ =	sdelay $0x1  }
0xfc: {  	v3 =	vperm.xlane v3, v2;
	v4 =	vadd.s32 v1, v4;
	_ =	sdelay $0x1  }
0xfd: {  	v3 =	vadd.s32 v1, v3;
	_ =	sdelay $0x1  }
0xfe: {  	s8 =	simm.s32 $0x4000  }
0xff: {  	[tilespmem:s8], [sflag:$0x1] =	stream.indirect_vreg.gather [hbm4b:s4+s2], $0x80, v4, vm0, $0xb8;
	[tilespmem:$0x10400] =	vst v63  }
0x100: {  	s15 =	simm.s32 $0x4800  }
0x101: {  	[tilespmem:s15], [sflag:$0x1] =	stream.indirect_vreg.gather [hbm4b:s4+s2], $0x80, v3, vm0, $0xb8;
	[tilespmem:$0x10400] =	vst v63  }
0x102: {  	v3 =	vld [tilespmem:$0x10150];
	_ =	sdelay $0x4  }
0x103: {  	v21 =	vshll.u32 v3, $0x1  }
0x104: {  	v3 =	vand.u32 $0x7, v3;
	v4 =	vand.u32 $0xFFFFFFF0, v21  }
0x105: {  	v3 =	vor.u32 v3, v4  }
0x106: {  	v4 =	vperm.xlane v3, v0;
	_ =	sdelay $0x1  }
0x107: {  	v3 =	vperm.xlane v3, v2;
	v4 =	vadd.s32 v1, v4;
	_ =	sdelay $0x1  }
0x108: {  	v3 =	vadd.s32 v1, v3;
	_ =	sdelay $0x1  }
0x109: {  	s9 =	simm.s32 $0x5000  }
0x10a: {  	[tilespmem:s9], [sflag:$0x1] =	stream.indirect_vreg.gather [hbm4b:s4+s2], $0x80, v4, vm0, $0xb8;
	[tilespmem:$0x10400] =	vst v63  }
0x10b: {  	s16 =	simm.s32 $0x5800  }
0x10c: {  	[tilespmem:s16], [sflag:$0x1] =	stream.indirect_vreg.gather [hbm4b:s4+s2], $0x80, v3, vm0, $0xb8;
	[tilespmem:$0x10400] =	vst v63  }
0x10d: {  	v3 =	vld [tilespmem:$0x10160];
	_ =	sdelay $0x4  }
0x10e: {  	v22 =	vshll.u32 v3, $0x1  }
0x10f: {  	v3 =	vand.u32 $0x7, v3;
	v4 =	vand.u32 $0xFFFFFFF0, v22  }
0x110: {  	v3 =	vor.u32 v3, v4  }
0x111: {  	v4 =	vperm.xlane v3, v0;
	_ =	sdelay $0x1  }
0x112: {  	v3 =	vperm.xlane v3, v2;
	v4 =	vadd.s32 v1, v4;
	_ =	sdelay $0x1  }
0x113: {  	v3 =	vadd.s32 v1, v3;
	_ =	sdelay $0x1  }
0x114: {  	s16 =	simm.s32 $0x6000  }
0x115: {  	[tilespmem:s16], [sflag:$0x1] =	stream.indirect_vreg.gather [hbm4b:s4+s2], $0x80, v4, vm0, $0xb8;
	[tilespmem:$0x10400] =	vst v63  }
0x116: {  	s17 =	simm.s32 $0x6800  }
0x117: {  	[tilespmem:s17], [sflag:$0x1] =	stream.indirect_vreg.gather [hbm4b:s4+s2], $0x80, v3, vm0, $0xb8;
	[tilespmem:$0x10400] =	vst v63  }
0x118: {  	v3 =	vld [tilespmem:$0x10170];
	_ =	sdelay $0x4  }
0x119: {  	v23 =	vshll.u32 v3, $0x1  }
0x11a: {  	v3 =	vand.u32 $0x7, v3;
	v4 =	vand.u32 $0xFFFFFFF0, v23  }
0x11b: {  	v3 =	vor.u32 v3, v4  }
0x11c: {  	v4 =	vperm.xlane v3, v0;
	_ =	sdelay $0x1  }
0x11d: {  	v3 =	vperm.xlane v3, v2;
	v4 =	vadd.s32 v1, v4;
	_ =	sdelay $0x1  }
0x11e: {  	v3 =	vadd.s32 v1, v3;
	_ =	sdelay $0x1  }
0x11f: {  	s18 =	simm.s32 $0x7000  }
0x120: {  	[tilespmem:s18], [sflag:$0x1] =	stream.indirect_vreg.gather [hbm4b:s4+s2], $0x80, v4, vm0, $0xb8;
	[tilespmem:$0x10400] =	vst v63  }
0x121: {  	s19 =	simm.s32 $0x7800  }
0x122: {  	[tilespmem:s19], [sflag:$0x1] =	stream.indirect_vreg.gather [hbm4b:s4+s2], $0x80, v3, vm0, $0xb8;
	[tilespmem:$0x10400] =	vst v63  }
0x123: {  	_ =	swait.ge [sflag:s12], $0x8000  }
0x124: {  	[sflag:s12] =	ssyncset.done $0x0  }
0x125: {  	s6 =	rddreg [dreg:$0x4];
	[sflag:s12] =	ssyncadd.s32 $0xFFFF8000  }
0x126: {  	[hbm4b:s6+s2] =	stream.linear.scatter [tilespmem:s25], [sflag:$0x4], $0x8000, $0x38;
	[tilespmem:$0x10400] =	vst v63  }
0x127: {  	_ =	swait.ge [sflag:s13], $0x8000  }
0x128: {  	[sflag:s13] =	ssyncset.done $0x0  }
0x129: {  	[sflag:s13] =	ssyncadd.s32 $0xFFFF8000  }
0x12a: {  	v3 =	vld [tilespmem:$0x10180];
	_ =	sdelay $0x4  }
0x12b: {  	v24 =	vshll.u32 v3, $0x1  }
0x12c: {  	v3 =	vand.u32 $0x7, v3;
	v4 =	vand.u32 $0xFFFFFFF0, v24  }
0x12d: {  	v3 =	vor.u32 v3, v4  }
0x12e: {  	v4 =	vperm.xlane v3, v0;
	_ =	sdelay $0x1  }
0x12f: {  	v3 =	vperm.xlane v3, v2;
	v4 =	vadd.s32 v1, v4;
	_ =	sdelay $0x1  }
0x130: {  	v3 =	vadd.s32 v1, v3;
	_ =	sdelay $0x2  }
0x131: {  	[tilespmem:s25], [sflag:$0x2] =	stream.indirect_vreg.gather [hbm4b:s4+s2], $0x80, v4, vm0, $0xb8;
	[tilespmem:$0x10400] =	vst v63  }
0x132: {  	s1 =	simm.s32 $0x8800  }
0x133: {  	[tilespmem:s1], [sflag:$0x2] =	stream.indirect_vreg.gather [hbm4b:s4+s2], $0x80, v3, vm0, $0xb8;
	[tilespmem:$0x10400] =	vst v63  }
0x134: {  	v3 =	vld [tilespmem:$0x10190];
	_ =	sdelay $0x4  }
0x135: {  	v25 =	vshll.u32 v3, $0x1  }
0x136: {  	v3 =	vand.u32 $0x7, v3;
	v4 =	vand.u32 $0xFFFFFFF0, v25  }
0x137: {  	v3 =	vor.u32 v3, v4  }
0x138: {  	v4 =	vperm.xlane v3, v0;
	_ =	sdelay $0x1  }
0x139: {  	v3 =	vperm.xlane v3, v2;
	v4 =	vadd.s32 v1, v4;
	_ =	sdelay $0x1  }
0x13a: {  	v3 =	vadd.s32 v1, v3;
	_ =	sdelay $0x1  }
0x13b: {  	s0 =	simm.s32 $0x9000  }
0x13c: {  	[tilespmem:s0], [sflag:$0x2] =	stream.indirect_vreg.gather [hbm4b:s4+s2], $0x80, v4, vm0, $0xb8;
	[tilespmem:$0x10400] =	vst v63  }
0x13d: {  	s3 =	simm.s32 $0x9800  }
0x13e: {  	[tilespmem:s3], [sflag:$0x2] =	stream.indirect_vreg.gather [hbm4b:s4+s2], $0x80, v3, vm0, $0xb8;
	[tilespmem:$0x10400] =	vst v63  }
0x13f: {  	v3 =	vld [tilespmem:$0x101A0];
	_ =	sdelay $0x4  }
0x140: {  	v26 =	vshll.u32 v3, $0x1  }
0x141: {  	v3 =	vand.u32 $0x7, v3;
	v4 =	vand.u32 $0xFFFFFFF0, v26  }
0x142: {  	v3 =	vor.u32 v3, v4  }
0x143: {  	v4 =	vperm.xlane v3, v0;
	_ =	sdelay $0x1  }
0x144: {  	v3 =	vperm.xlane v3, v2;
	v4 =	vadd.s32 v1, v4;
	_ =	sdelay $0x1  }
0x145: {  	v3 =	vadd.s32 v1, v3;
	_ =	sdelay $0x1  }
0x146: {  	s1 =	simm.s32 $0xA000  }
0x147: {  	[tilespmem:s1], [sflag:$0x2] =	stream.indirect_vreg.gather [hbm4b:s4+s2], $0x80, v4, vm0, $0xb8;
	[tilespmem:$0x10400] =	vst v63  }
0x148: {  	s6 =	simm.s32 $0xA800  }
0x149: {  	[tilespmem:s6], [sflag:$0x2] =	stream.indirect_vreg.gather [hbm4b:s4+s2], $0x80, v3, vm0, $0xb8;
	[tilespmem:$0x10400] =	vst v63  }
0x14a: {  	v3 =	vld [tilespmem:$0x101B0];
	_ =	sdelay $0x4  }
0x14b: {  	v27 =	vshll.u32 v3, $0x1  }
0x14c: {  	v3 =	vand.u32 $0x7, v3;
	v4 =	vand.u32 $0xFFFFFFF0, v27  }
0x14d: {  	v3 =	vor.u32 v3, v4  }
0x14e: {  	v4 =	vperm.xlane v3, v0;
	_ =	sdelay $0x1  }
0x14f: {  	v3 =	vperm.xlane v3, v2;
	v4 =	vadd.s32 v1, v4;
	_ =	sdelay $0x1  }
0x150: {  	v3 =	vadd.s32 v1, v3;
	_ =	sdelay $0x1  }
0x151: {  	s14 =	simm.s32 $0xB000  }
0x152: {  	[tilespmem:s14], [sflag:$0x2] =	stream.indirect_vreg.gather [hbm4b:s4+s2], $0x80, v4, vm0, $0xb8;
	[tilespmem:$0x10400] =	vst v63  }
0x153: {  	s21 =	simm.s32 $0xB800  }
0x154: {  	[tilespmem:s21], [sflag:$0x2] =	stream.indirect_vreg.gather [hbm4b:s4+s2], $0x80, v3, vm0, $0xb8;
	[tilespmem:$0x10400] =	vst v63  }
0x155: {  	v3 =	vld [tilespmem:$0x101C0];
	_ =	sdelay $0x4  }
0x156: {  	v28 =	vshll.u32 v3, $0x1  }
0x157: {  	v3 =	vand.u32 $0x7, v3;
	v4 =	vand.u32 $0xFFFFFFF0, v28  }
0x158: {  	v3 =	vor.u32 v3, v4  }
0x159: {  	v4 =	vperm.xlane v3, v0;
	_ =	sdelay $0x1  }
0x15a: {  	v3 =	vperm.xlane v3, v2;
	v4 =	vadd.s32 v1, v4;
	_ =	sdelay $0x1  }
0x15b: {  	v3 =	vadd.s32 v1, v3;
	_ =	sdelay $0x1  }
0x15c: {  	s30 =	simm.s32 $0xC000  }
0x15d: {  	[tilespmem:s30], [sflag:$0x2] =	stream.indirect_vreg.gather [hbm4b:s4+s2], $0x80, v4, vm0, $0xb8;
	[tilespmem:$0x10400] =	vst v63  }
0x15e: {  	s26 =	simm.s32 $0xC800  }
0x15f: {  	[tilespmem:s26], [sflag:$0x2] =	stream.indirect_vreg.gather [hbm4b:s4+s2], $0x80, v3, vm0, $0xb8;
	[tilespmem:$0x10400] =	vst v63  }
0x160: {  	v3 =	vld [tilespmem:$0x101D0];
	_ =	sdelay $0x4  }
0x161: {  	v29 =	vshll.u32 v3, $0x1  }
0x162: {  	v3 =	vand.u32 $0x7, v3;
	v4 =	vand.u32 $0xFFFFFFF0, v29  }
0x163: {  	v3 =	vor.u32 v3, v4  }
0x164: {  	v4 =	vperm.xlane v3, v0;
	_ =	sdelay $0x1  }
0x165: {  	v3 =	vperm.xlane v3, v2;
	v4 =	vadd.s32 v1, v4;
	_ =	sdelay $0x1  }
0x166: {  	v3 =	vadd.s32 v1, v3;
	_ =	sdelay $0x1  }
0x167: {  	s31 =	simm.s32 $0xD000  }
0x168: {  	[tilespmem:s31], [sflag:$0x2] =	stream.indirect_vreg.gather [hbm4b:s4+s2], $0x80, v4, vm0, $0xb8;
	[tilespmem:$0x10400] =	vst v63  }
0x169: {  	s20 =	simm.s32 $0xD800  }
0x16a: {  	[tilespmem:s20], [sflag:$0x2] =	stream.indirect_vreg.gather [hbm4b:s4+s2], $0x80, v3, vm0, $0xb8;
	[tilespmem:$0x10400] =	vst v63  }
0x16b: {  	v3 =	vld [tilespmem:$0x101E0];
	_ =	sdelay $0x4  }
0x16c: {  	v30 =	vshll.u32 v3, $0x1  }
0x16d: {  	v3 =	vand.u32 $0x7, v3;
	v4 =	vand.u32 $0xFFFFFFF0, v30  }
0x16e: {  	v3 =	vor.u32 v3, v4  }
0x16f: {  	v4 =	vperm.xlane v3, v0;
	_ =	sdelay $0x1  }
0x170: {  	v3 =	vperm.xlane v3, v2;
	v4 =	vadd.s32 v1, v4;
	_ =	sdelay $0x1  }
0x171: {  	v3 =	vadd.s32 v1, v3;
	_ =	sdelay $0x1  }
0x172: {  	s28 =	simm.s32 $0xE000  }
0x173: {  	[tilespmem:s28], [sflag:$0x2] =	stream.indirect_vreg.gather [hbm4b:s4+s2], $0x80, v4, vm0, $0xb8;
	[tilespmem:$0x10400] =	vst v63  }
0x174: {  	s23 =	simm.s32 $0xE800  }
0x175: {  	[tilespmem:s23], [sflag:$0x2] =	stream.indirect_vreg.gather [hbm4b:s4+s2], $0x80, v3, vm0, $0xb8;
	[tilespmem:$0x10400] =	vst v63  }
0x176: {  	v3 =	vld [tilespmem:$0x101F0];
	_ =	sdelay $0x4  }
0x177: {  	v31 =	vshll.u32 v3, $0x1  }
0x178: {  	v3 =	vand.u32 $0x7, v3;
	v4 =	vand.u32 $0xFFFFFFF0, v31  }
0x179: {  	v3 =	vor.u32 v3, v4  }
0x17a: {  	v4 =	vperm.xlane v3, v0;
	_ =	sdelay $0x1  }
0x17b: {  	v3 =	vperm.xlane v3, v2;
	v4 =	vadd.s32 v1, v4;
	_ =	sdelay $0x1  }
0x17c: {  	v3 =	vadd.s32 v1, v3;
	_ =	sdelay $0x1  }
0x17d: {  	s29 =	simm.s32 $0xF000  }
0x17e: {  	[tilespmem:s29], [sflag:$0x2] =	stream.indirect_vreg.gather [hbm4b:s4+s2], $0x80, v4, vm0, $0xb8;
	[tilespmem:$0x10400] =	vst v63  }
0x17f: {  	s24 =	simm.s32 $0xF800  }
0x180: {  	[tilespmem:s24], [sflag:$0x2] =	stream.indirect_vreg.gather [hbm4b:s4+s2], $0x80, v3, vm0, $0xb8;
	[tilespmem:$0x10400] =	vst v63  }
0x181: {  	_ =	swait.ge [sflag:s10], $0x8000  }
0x182: {  	[sflag:s10] =	ssyncset.done $0x0  }
0x183: {  	s23 =	rddreg [dreg:$0x5];
	[sflag:s10] =	ssyncadd.s32 $0xFFFF8000  }
0x184: {  	[hbm4b:s23+s2] =	stream.linear.scatter [tilespmem:s2], [sflag:$0x3], $0x8000, $0x38;
	[tilespmem:$0x10400] =	vst v63  }
0x185: {  	_ =	swait.ge [sflag:s11], $0x8000  }
0x186: {  	[sflag:s11] =	ssyncset.done $0x0  }
0x187: {  	[sflag:s11] =	ssyncadd.s32 $0xFFFF8000  }
0x188: {  	v3 =	vld [tilespmem:$0x10200];
	_ =	sdelay $0x4  }
0x189: {  	v32 =	vshll.u32 v3, $0x1  }
0x18a: {  	v3 =	vand.u32 $0x7, v3;
	v4 =	vand.u32 $0xFFFFFFF0, v32  }
0x18b: {  	v3 =	vor.u32 v3, v4  }
0x18c: {  	v4 =	vperm.xlane v3, v0;
	_ =	sdelay $0x1  }
0x18d: {  	v3 =	vperm.xlane v3, v2;
	v4 =	vadd.s32 v1, v4;
	_ =	sdelay $0x1  }
0x18e: {  	v3 =	vadd.s32 v1, v3;
	_ =	sdelay $0x2  }
0x18f: {  	[tilespmem:s2], [sflag:$0x1] =	stream.indirect_vreg.gather [hbm4b:s4+s2], $0x80, v4, vm0, $0xb8;
	[tilespmem:$0x10400] =	vst v63  }
0x190: {  	s24 =	simm.s32 $0x800  }
0x191: {  	[tilespmem:s24], [sflag:$0x1] =	stream.indirect_vreg.gather [hbm4b:s4+s2], $0x80, v3, vm0, $0xb8;
	[tilespmem:$0x10400] =	vst v63  }
0x192: {  	v3 =	vld [tilespmem:$0x10210];
	_ =	sdelay $0x4  }
0x193: {  	v33 =	vshll.u32 v3, $0x1  }
0x194: {  	v3 =	vand.u32 $0x7, v3;
	v4 =	vand.u32 $0xFFFFFFF0, v33  }
0x195: {  	v3 =	vor.u32 v3, v4  }
0x196: {  	v4 =	vperm.xlane v3, v0;
	_ =	sdelay $0x1  }
0x197: {  	v3 =	vperm.xlane v3, v2;
	v4 =	vadd.s32 v1, v4;
	_ =	sdelay $0x1  }
0x198: {  	v3 =	vadd.s32 v1, v3;
	_ =	sdelay $0x1  }
0x199: {  	s28 =	simm.s32 $0x1000  }
0x19a: {  	[tilespmem:s28], [sflag:$0x1] =	stream.indirect_vreg.gather [hbm4b:s4+s2], $0x80, v4, vm0, $0xb8;
	[tilespmem:$0x10400] =	vst v63  }
0x19b: {  	s29 =	simm.s32 $0x1800  }
0x19c: {  	[tilespmem:s29], [sflag:$0x1] =	stream.indirect_vreg.gather [hbm4b:s4+s2], $0x80, v3, vm0, $0xb8;
	[tilespmem:$0x10400] =	vst v63  }
0x19d: {  	v3 =	vld [tilespmem:$0x10220];
	_ =	sdelay $0x4  }
0x19e: {  	v34 =	vshll.u32 v3, $0x1  }
0x19f: {  	v3 =	vand.u32 $0x7, v3;
	v4 =	vand.u32 $0xFFFFFFF0, v34  }
0x1a0: {  	v3 =	vor.u32 v3, v4  }
0x1a1: {  	v4 =	vperm.xlane v3, v0;
	_ =	sdelay $0x1  }
0x1a2: {  	v3 =	vperm.xlane v3, v2;
	v4 =	vadd.s32 v1, v4;
	_ =	sdelay $0x1  }
0x1a3: {  	v3 =	vadd.s32 v1, v3;
	_ =	sdelay $0x1  }
0x1a4: {  	s23 =	simm.s32 $0x2000  }
0x1a5: {  	[tilespmem:s23], [sflag:$0x1] =	stream.indirect_vreg.gather [hbm4b:s4+s2], $0x80, v4, vm0, $0xb8;
	[tilespmem:$0x10400] =	vst v63  }
0x1a6: {  	_ = 	snop  }
0x1a7: {  	[tilespmem:s22], [sflag:$0x1] =	stream.indirect_vreg.gather [hbm4b:s4+s2], $0x80, v3, vm0, $0xb8;
	[tilespmem:$0x10400] =	vst v63  }
0x1a8: {  	v3 =	vld [tilespmem:$0x10230];
	_ =	sdelay $0x4  }
0x1a9: {  	v35 =	vshll.u32 v3, $0x1  }
0x1aa: {  	v3 =	vand.u32 $0x7, v3;
	v4 =	vand.u32 $0xFFFFFFF0, v35  }
0x1ab: {  	v3 =	vor.u32 v3, v4  }
0x1ac: {  	v4 =	vperm.xlane v3, v0;
	_ =	sdelay $0x1  }
0x1ad: {  	v3 =	vperm.xlane v3, v2;
	v4 =	vadd.s32 v1, v4;
	_ =	sdelay $0x1  }
0x1ae: {  	v3 =	vadd.s32 v1, v3;
	_ =	sdelay $0x2  }
0x1af: {  	[tilespmem:s7], [sflag:$0x1] =	stream.indirect_vreg.gather [hbm4b:s4+s2], $0x80, v4, vm0, $0xb8;
	[tilespmem:$0x10400] =	vst v63  }
0x1b0: {  	s24 =	simm.s32 $0x3800  }
0x1b1: {  	[tilespmem:s24], [sflag:$0x1] =	stream.indirect_vreg.gather [hbm4b:s4+s2], $0x80, v3, vm0, $0xb8;
	[tilespmem:$0x10400] =	vst v63  }
0x1b2: {  	v3 =	vld [tilespmem:$0x10240];
	_ =	sdelay $0x4  }
0x1b3: {  	v36 =	vshll.u32 v3, $0x1  }
0x1b4: {  	v3 =	vand.u32 $0x7, v3;
	v4 =	vand.u32 $0xFFFFFFF0, v36  }
0x1b5: {  	v3 =	vor.u32 v3, v4  }
0x1b6: {  	v4 =	vperm.xlane v3, v0;
	_ =	sdelay $0x1  }
0x1b7: {  	v3 =	vperm.xlane v3, v2;
	v4 =	vadd.s32 v1, v4;
	_ =	sdelay $0x1  }
0x1b8: {  	v3 =	vadd.s32 v1, v3;
	_ =	sdelay $0x2  }
0x1b9: {  	[tilespmem:s8], [sflag:$0x1] =	stream.indirect_vreg.gather [hbm4b:s4+s2], $0x80, v4, vm0, $0xb8;
	[tilespmem:$0x10400] =	vst v63  }
0x1ba: {  	_ = 	snop  }
0x1bb: {  	[tilespmem:s15], [sflag:$0x1] =	stream.indirect_vreg.gather [hbm4b:s4+s2], $0x80, v3, vm0, $0xb8;
	[tilespmem:$0x10400] =	vst v63  }
0x1bc: {  	v3 =	vld [tilespmem:$0x10250];
	_ =	sdelay $0x4  }
0x1bd: {  	v37 =	vshll.u32 v3, $0x1  }
0x1be: {  	v3 =	vand.u32 $0x7, v3;
	v4 =	vand.u32 $0xFFFFFFF0, v37  }
0x1bf: {  	v3 =	vor.u32 v3, v4  }
0x1c0: {  	v4 =	vperm.xlane v3, v0;
	_ =	sdelay $0x1  }
0x1c1: {  	v3 =	vperm.xlane v3, v2;
	v4 =	vadd.s32 v1, v4;
	_ =	sdelay $0x1  }
0x1c2: {  	v3 =	vadd.s32 v1, v3;
	_ =	sdelay $0x2  }
0x1c3: {  	[tilespmem:s9], [sflag:$0x1] =	stream.indirect_vreg.gather [hbm4b:s4+s2], $0x80, v4, vm0, $0xb8;
	[tilespmem:$0x10400] =	vst v63  }
0x1c4: {  	s28 =	simm.s32 $0x5800  }
0x1c5: {  	[tilespmem:s28], [sflag:$0x1] =	stream.indirect_vreg.gather [hbm4b:s4+s2], $0x80, v3, vm0, $0xb8;
	[tilespmem:$0x10400] =	vst v63  }
0x1c6: {  	v3 =	vld [tilespmem:$0x10260];
	_ =	sdelay $0x4  }
0x1c7: {  	v38 =	vshll.u32 v3, $0x1  }
0x1c8: {  	v3 =	vand.u32 $0x7, v3;
	v4 =	vand.u32 $0xFFFFFFF0, v38  }
0x1c9: {  	v3 =	vor.u32 v3, v4  }
0x1ca: {  	v4 =	vperm.xlane v3, v0;
	_ =	sdelay $0x1  }
0x1cb: {  	v3 =	vperm.xlane v3, v2;
	v4 =	vadd.s32 v1, v4;
	_ =	sdelay $0x1  }
0x1cc: {  	v3 =	vadd.s32 v1, v3;
	_ =	sdelay $0x2  }
0x1cd: {  	[tilespmem:s16], [sflag:$0x1] =	stream.indirect_vreg.gather [hbm4b:s4+s2], $0x80, v4, vm0, $0xb8;
	[tilespmem:$0x10400] =	vst v63  }
0x1ce: {  	_ = 	snop  }
0x1cf: {  	[tilespmem:s17], [sflag:$0x1] =	stream.indirect_vreg.gather [hbm4b:s4+s2], $0x80, v3, vm0, $0xb8;
	[tilespmem:$0x10400] =	vst v63  }
0x1d0: {  	v3 =	vld [tilespmem:$0x10270];
	_ =	sdelay $0x4  }
0x1d1: {  	v39 =	vshll.u32 v3, $0x1  }
0x1d2: {  	v3 =	vand.u32 $0x7, v3;
	v4 =	vand.u32 $0xFFFFFFF0, v39  }
0x1d3: {  	v3 =	vor.u32 v3, v4  }
0x1d4: {  	v4 =	vperm.xlane v3, v0;
	_ =	sdelay $0x1  }
0x1d5: {  	v3 =	vperm.xlane v3, v2;
	v4 =	vadd.s32 v1, v4;
	_ =	sdelay $0x1  }
0x1d6: {  	v3 =	vadd.s32 v1, v3;
	_ =	sdelay $0x2  }
0x1d7: {  	[tilespmem:s18], [sflag:$0x1] =	stream.indirect_vreg.gather [hbm4b:s4+s2], $0x80, v4, vm0, $0xb8;
	[tilespmem:$0x10400] =	vst v63  }
0x1d8: {  	_ = 	snop  }
0x1d9: {  	[tilespmem:s19], [sflag:$0x1] =	stream.indirect_vreg.gather [hbm4b:s4+s2], $0x80, v3, vm0, $0xb8;
	[tilespmem:$0x10400] =	vst v63  }
0x1da: {  	_ =	swait.ge [sflag:s12], $0x8000  }
0x1db: {  	[sflag:s12] =	ssyncset.done $0x0  }
0x1dc: {  	s29 =	rddreg [dreg:$0x6];
	[sflag:s12] =	ssyncadd.s32 $0xFFFF8000  }
0x1dd: {  	[hbm4b:s29+s2] =	stream.linear.scatter [tilespmem:s25], [sflag:$0x4], $0x8000, $0x38;
	[tilespmem:$0x10400] =	vst v63  }
0x1de: {  	_ =	swait.ge [sflag:s13], $0x8000  }
0x1df: {  	[sflag:s13] =	ssyncset.done $0x0  }
0x1e0: {  	[sflag:s13] =	ssyncadd.s32 $0xFFFF8000  }
0x1e1: {  	v3 =	vld [tilespmem:$0x10280];
	_ =	sdelay $0x4  }
0x1e2: {  	v40 =	vshll.u32 v3, $0x1  }
0x1e3: {  	v3 =	vand.u32 $0x7, v3;
	v4 =	vand.u32 $0xFFFFFFF0, v40  }
0x1e4: {  	v3 =	vor.u32 v3, v4  }
0x1e5: {  	v4 =	vperm.xlane v3, v0;
	_ =	sdelay $0x1  }
0x1e6: {  	v3 =	vperm.xlane v3, v2;
	v4 =	vadd.s32 v1, v4;
	_ =	sdelay $0x1  }
0x1e7: {  	v3 =	vadd.s32 v1, v3;
	_ =	sdelay $0x2  }
0x1e8: {  	[tilespmem:s25], [sflag:$0x2] =	stream.indirect_vreg.gather [hbm4b:s4+s2], $0x80, v4, vm0, $0xb8;
	[tilespmem:$0x10400] =	vst v63  }
0x1e9: {  	s23 =	simm.s32 $0x8800  }
0x1ea: {  	[tilespmem:s23], [sflag:$0x2] =	stream.indirect_vreg.gather [hbm4b:s4+s2], $0x80, v3, vm0, $0xb8;
	[tilespmem:$0x10400] =	vst v63  }
0x1eb: {  	v3 =	vld [tilespmem:$0x10290];
	_ =	sdelay $0x4  }
0x1ec: {  	v41 =	vshll.u32 v3, $0x1  }
0x1ed: {  	v3 =	vand.u32 $0x7, v3;
	v4 =	vand.u32 $0xFFFFFFF0, v41  }
0x1ee: {  	v3 =	vor.u32 v3, v4  }
0x1ef: {  	v4 =	vperm.xlane v3, v0;
	_ =	sdelay $0x1  }
0x1f0: {  	v3 =	vperm.xlane v3, v2;
	v4 =	vadd.s32 v1, v4;
	_ =	sdelay $0x1  }
0x1f1: {  	v3 =	vadd.s32 v1, v3;
	_ =	sdelay $0x2  }
0x1f2: {  	[tilespmem:s0], [sflag:$0x2] =	stream.indirect_vreg.gather [hbm4b:s4+s2], $0x80, v4, vm0, $0xb8;
	[tilespmem:$0x10400] =	vst v63  }
0x1f3: {  	_ = 	snop  }
0x1f4: {  	[tilespmem:s3], [sflag:$0x2] =	stream.indirect_vreg.gather [hbm4b:s4+s2], $0x80, v3, vm0, $0xb8;
	[tilespmem:$0x10400] =	vst v63  }
0x1f5: {  	v3 =	vld [tilespmem:$0x102A0];
	_ =	sdelay $0x4  }
0x1f6: {  	v42 =	vshll.u32 v3, $0x1  }
0x1f7: {  	v3 =	vand.u32 $0x7, v3;
	v4 =	vand.u32 $0xFFFFFFF0, v42  }
0x1f8: {  	v3 =	vor.u32 v3, v4  }
0x1f9: {  	v4 =	vperm.xlane v3, v0;
	_ =	sdelay $0x1  }
0x1fa: {  	v3 =	vperm.xlane v3, v2;
	v4 =	vadd.s32 v1, v4;
	_ =	sdelay $0x1  }
0x1fb: {  	v3 =	vadd.s32 v1, v3;
	_ =	sdelay $0x2  }
0x1fc: {  	[tilespmem:s1], [sflag:$0x2] =	stream.indirect_vreg.gather [hbm4b:s4+s2], $0x80, v4, vm0, $0xb8;
	[tilespmem:$0x10400] =	vst v63  }
0x1fd: {  	_ = 	snop  }
0x1fe: {  	[tilespmem:s6], [sflag:$0x2] =	stream.indirect_vreg.gather [hbm4b:s4+s2], $0x80, v3, vm0, $0xb8;
	[tilespmem:$0x10400] =	vst v63  }
0x1ff: {  	v3 =	vld [tilespmem:$0x102B0];
	_ =	sdelay $0x4  }
0x200: {  	v43 =	vshll.u32 v3, $0x1  }
0x201: {  	v3 =	vand.u32 $0x7, v3;
	v4 =	vand.u32 $0xFFFFFFF0, v43  }
0x202: {  	v3 =	vor.u32 v3, v4  }
0x203: {  	v4 =	vperm.xlane v3, v0;
	_ =	sdelay $0x1  }
0x204: {  	v3 =	vperm.xlane v3, v2;
	v4 =	vadd.s32 v1, v4;
	_ =	sdelay $0x1  }
0x205: {  	v3 =	vadd.s32 v1, v3;
	_ =	sdelay $0x1  }
0x206: {  	s24 =	simm.s32 $0xB000  }
0x207: {  	[tilespmem:s24], [sflag:$0x2] =	stream.indirect_vreg.gather [hbm4b:s4+s2], $0x80, v4, vm0, $0xb8;
	[tilespmem:$0x10400] =	vst v63  }
0x208: {  	s28 =	simm.s32 $0xB800  }
0x209: {  	[tilespmem:s28], [sflag:$0x2] =	stream.indirect_vreg.gather [hbm4b:s4+s2], $0x80, v3, vm0, $0xb8;
	[tilespmem:$0x10400] =	vst v63  }
0x20a: {  	v3 =	vld [tilespmem:$0x102C0];
	_ =	sdelay $0x4  }
0x20b: {  	v44 =	vshll.u32 v3, $0x1  }
0x20c: {  	v3 =	vand.u32 $0x7, v3;
	v4 =	vand.u32 $0xFFFFFFF0, v44  }
0x20d: {  	v3 =	vor.u32 v3, v4  }
0x20e: {  	v4 =	vperm.xlane v3, v0;
	_ =	sdelay $0x1  }
0x20f: {  	v3 =	vperm.xlane v3, v2;
	v4 =	vadd.s32 v1, v4;
	_ =	sdelay $0x1  }
0x210: {  	v3 =	vadd.s32 v1, v3;
	_ =	sdelay $0x1  }
0x211: {  	s29 =	simm.s32 $0xC000  }
0x212: {  	[tilespmem:s29], [sflag:$0x2] =	stream.indirect_vreg.gather [hbm4b:s4+s2], $0x80, v4, vm0, $0xb8;
	[tilespmem:$0x10400] =	vst v63  }
0x213: {  	s30 =	simm.s32 $0xC800  }
0x214: {  	[tilespmem:s30], [sflag:$0x2] =	stream.indirect_vreg.gather [hbm4b:s4+s2], $0x80, v3, vm0, $0xb8;
	[tilespmem:$0x10400] =	vst v63  }
0x215: {  	v3 =	vld [tilespmem:$0x102D0];
	_ =	sdelay $0x4  }
0x216: {  	v45 =	vshll.u32 v3, $0x1  }
0x217: {  	v3 =	vand.u32 $0x7, v3;
	v4 =	vand.u32 $0xFFFFFFF0, v45  }
0x218: {  	v3 =	vor.u32 v3, v4  }
0x219: {  	v4 =	vperm.xlane v3, v0;
	_ =	sdelay $0x1  }
0x21a: {  	v3 =	vperm.xlane v3, v2;
	v4 =	vadd.s32 v1, v4;
	_ =	sdelay $0x1  }
0x21b: {  	v3 =	vadd.s32 v1, v3;
	_ =	sdelay $0x1  }
0x21c: {  	s30 =	simm.s32 $0xD000  }
0x21d: {  	[tilespmem:s30], [sflag:$0x2] =	stream.indirect_vreg.gather [hbm4b:s4+s2], $0x80, v4, vm0, $0xb8;
	[tilespmem:$0x10400] =	vst v63  }
0x21e: {  	s20 =	simm.s32 $0xD800  }
0x21f: {  	[tilespmem:s20], [sflag:$0x2] =	stream.indirect_vreg.gather [hbm4b:s4+s2], $0x80, v3, vm0, $0xb8;
	[tilespmem:$0x10400] =	vst v63  }
0x220: {  	v3 =	vld [tilespmem:$0x102E0];
	_ =	sdelay $0x4  }
0x221: {  	v46 =	vshll.u32 v3, $0x1  }
0x222: {  	v3 =	vand.u32 $0x7, v3;
	v4 =	vand.u32 $0xFFFFFFF0, v46  }
0x223: {  	v3 =	vor.u32 v3, v4  }
0x224: {  	v4 =	vperm.xlane v3, v0;
	_ =	sdelay $0x1  }
0x225: {  	v3 =	vperm.xlane v3, v2;
	v4 =	vadd.s32 v1, v4;
	_ =	sdelay $0x1  }
0x226: {  	v3 =	vadd.s32 v1, v3;
	_ =	sdelay $0x1  }
0x227: {  	s31 =	simm.s32 $0xE000  }
0x228: {  	[tilespmem:s31], [sflag:$0x2] =	stream.indirect_vreg.gather [hbm4b:s4+s2], $0x80, v4, vm0, $0xb8;
	[tilespmem:$0x10400] =	vst v63  }
0x229: {  	s21 =	simm.s32 $0xE800  }
0x22a: {  	[tilespmem:s21], [sflag:$0x2] =	stream.indirect_vreg.gather [hbm4b:s4+s2], $0x80, v3, vm0, $0xb8;
	[tilespmem:$0x10400] =	vst v63  }
0x22b: {  	v3 =	vld [tilespmem:$0x102F0];
	_ =	sdelay $0x4  }
0x22c: {  	v47 =	vshll.u32 v3, $0x1  }
0x22d: {  	v3 =	vand.u32 $0x7, v3;
	v4 =	vand.u32 $0xFFFFFFF0, v47  }
0x22e: {  	v3 =	vor.u32 v3, v4  }
0x22f: {  	v4 =	vperm.xlane v3, v0;
	_ =	sdelay $0x1  }
0x230: {  	v3 =	vperm.xlane v3, v2;
	v4 =	vadd.s32 v1, v4;
	_ =	sdelay $0x1  }
0x231: {  	v3 =	vadd.s32 v1, v3;
	_ =	sdelay $0x1  }
0x232: {  	s26 =	simm.s32 $0xF000  }
0x233: {  	[tilespmem:s26], [sflag:$0x2] =	stream.indirect_vreg.gather [hbm4b:s4+s2], $0x80, v4, vm0, $0xb8;
	[tilespmem:$0x10400] =	vst v63  }
0x234: {  	s26 =	simm.s32 $0xF800  }
0x235: {  	[tilespmem:s26], [sflag:$0x2] =	stream.indirect_vreg.gather [hbm4b:s4+s2], $0x80, v3, vm0, $0xb8;
	[tilespmem:$0x10400] =	vst v63  }
0x236: {  	_ =	swait.ge [sflag:s10], $0x8000  }
0x237: {  	[sflag:s10] =	ssyncset.done $0x0  }
0x238: {  	s31 =	rddreg [dreg:$0x7];
	[sflag:s10] =	ssyncadd.s32 $0xFFFF8000  }
0x239: {  	[hbm4b:s31+s2] =	stream.linear.scatter [tilespmem:s2], [sflag:$0x3], $0x8000, $0x38;
	[tilespmem:$0x10400] =	vst v63  }
0x23a: {  	_ =	swait.ge [sflag:s11], $0x8000  }
0x23b: {  	[sflag:s11] =	ssyncset.done $0x0  }
0x23c: {  	[sflag:s11] =	ssyncadd.s32 $0xFFFF8000  }
0x23d: {  	v3 =	vld [tilespmem:$0x10300];
	_ =	sdelay $0x4  }
0x23e: {  	v48 =	vshll.u32 v3, $0x1  }
0x23f: {  	v3 =	vand.u32 $0x7, v3;
	v4 =	vand.u32 $0xFFFFFFF0, v48  }
0x240: {  	v3 =	vor.u32 v3, v4  }
0x241: {  	v4 =	vperm.xlane v3, v0;
	_ =	sdelay $0x1  }
0x242: {  	v3 =	vperm.xlane v3, v2;
	v4 =	vadd.s32 v1, v4;
	_ =	sdelay $0x1  }
0x243: {  	v3 =	vadd.s32 v1, v3;
	_ =	sdelay $0x2  }
0x244: {  	[tilespmem:s2], [sflag:$0x1] =	stream.indirect_vreg.gather [hbm4b:s4+s2], $0x80, v4, vm0, $0xb8;
	[tilespmem:$0x10400] =	vst v63  }
0x245: {  	s31 =	simm.s32 $0x800  }
0x246: {  	[tilespmem:s31], [sflag:$0x1] =	stream.indirect_vreg.gather [hbm4b:s4+s2], $0x80, v3, vm0, $0xb8;
	[tilespmem:$0x10400] =	vst v63  }
0x247: {  	v3 =	vld [tilespmem:$0x10310];
	_ =	sdelay $0x4  }
0x248: {  	v49 =	vshll.u32 v3, $0x1  }
0x249: {  	v3 =	vand.u32 $0x7, v3;
	v4 =	vand.u32 $0xFFFFFFF0, v49  }
0x24a: {  	v3 =	vor.u32 v3, v4  }
0x24b: {  	v4 =	vperm.xlane v3, v0;
	_ =	sdelay $0x1  }
0x24c: {  	v3 =	vperm.xlane v3, v2;
	v4 =	vadd.s32 v1, v4;
	_ =	sdelay $0x1  }
0x24d: {  	v3 =	vadd.s32 v1, v3;
	_ =	sdelay $0x1  }
0x24e: {  	s31 =	simm.s32 $0x1000  }
0x24f: {  	[tilespmem:s31], [sflag:$0x1] =	stream.indirect_vreg.gather [hbm4b:s4+s2], $0x80, v4, vm0, $0xb8;
	[tilespmem:$0x10400] =	vst v63  }
0x250: {  	s31 =	simm.s32 $0x1800  }
0x251: {  	[tilespmem:s31], [sflag:$0x1] =	stream.indirect_vreg.gather [hbm4b:s4+s2], $0x80, v3, vm0, $0xb8;
	[tilespmem:$0x10400] =	vst v63  }
0x252: {  	v3 =	vld [tilespmem:$0x10320];
	_ =	sdelay $0x4  }
0x253: {  	v50 =	vshll.u32 v3, $0x1  }
0x254: {  	v3 =	vand.u32 $0x7, v3;
	v4 =	vand.u32 $0xFFFFFFF0, v50  }
0x255: {  	v3 =	vor.u32 v3, v4  }
0x256: {  	v4 =	vperm.xlane v3, v0;
	_ =	sdelay $0x1  }
0x257: {  	v3 =	vperm.xlane v3, v2;
	v4 =	vadd.s32 v1, v4;
	_ =	sdelay $0x1  }
0x258: {  	v3 =	vadd.s32 v1, v3;
	_ =	sdelay $0x1  }
0x259: {  	s31 =	simm.s32 $0x2000  }
0x25a: {  	[tilespmem:s31], [sflag:$0x1] =	stream.indirect_vreg.gather [hbm4b:s4+s2], $0x80, v4, vm0, $0xb8;
	[tilespmem:$0x10400] =	vst v63  }
0x25b: {  	s22 =	simm.s32 $0x2800  }
0x25c: {  	[tilespmem:s22], [sflag:$0x1] =	stream.indirect_vreg.gather [hbm4b:s4+s2], $0x80, v3, vm0, $0xb8;
	[tilespmem:$0x10400] =	vst v63  }
0x25d: {  	v3 =	vld [tilespmem:$0x10330];
	_ =	sdelay $0x4  }
0x25e: {  	v51 =	vshll.u32 v3, $0x1  }
0x25f: {  	v3 =	vand.u32 $0x7, v3;
	v4 =	vand.u32 $0xFFFFFFF0, v51  }
0x260: {  	v3 =	vor.u32 v3, v4  }
0x261: {  	v4 =	vperm.xlane v3, v0;
	_ =	sdelay $0x1  }
0x262: {  	v3 =	vperm.xlane v3, v2;
	v4 =	vadd.s32 v1, v4;
	_ =	sdelay $0x1  }
0x263: {  	v3 =	vadd.s32 v1, v3;
	_ =	sdelay $0x1  }
0x264: {  	s7 =	simm.s32 $0x3000  }
0x265: {  	[tilespmem:s7], [sflag:$0x1] =	stream.indirect_vreg.gather [hbm4b:s4+s2], $0x80, v4, vm0, $0xb8;
	[tilespmem:$0x10400] =	vst v63  }
0x266: {  	s14 =	simm.s32 $0x3800  }
0x267: {  	[tilespmem:s14], [sflag:$0x1] =	stream.indirect_vreg.gather [hbm4b:s4+s2], $0x80, v3, vm0, $0xb8;
	[tilespmem:$0x10400] =	vst v63  }
0x268: {  	v3 =	vld [tilespmem:$0x10340];
	_ =	sdelay $0x4  }
0x269: {  	v52 =	vshll.u32 v3, $0x1  }
0x26a: {  	v3 =	vand.u32 $0x7, v3;
	v4 =	vand.u32 $0xFFFFFFF0, v52  }
0x26b: {  	v3 =	vor.u32 v3, v4  }
0x26c: {  	v4 =	vperm.xlane v3, v0;
	_ =	sdelay $0x1  }
0x26d: {  	v3 =	vperm.xlane v3, v2;
	v4 =	vadd.s32 v1, v4;
	_ =	sdelay $0x1  }
0x26e: {  	v3 =	vadd.s32 v1, v3;
	_ =	sdelay $0x1  }
0x26f: {  	s8 =	simm.s32 $0x4000  }
0x270: {  	[tilespmem:s8], [sflag:$0x1] =	stream.indirect_vreg.gather [hbm4b:s4+s2], $0x80, v4, vm0, $0xb8;
	[tilespmem:$0x10400] =	vst v63  }
0x271: {  	s15 =	simm.s32 $0x4800  }
0x272: {  	[tilespmem:s15], [sflag:$0x1] =	stream.indirect_vreg.gather [hbm4b:s4+s2], $0x80, v3, vm0, $0xb8;
	[tilespmem:$0x10400] =	vst v63  }
0x273: {  	v3 =	vld [tilespmem:$0x10350];
	_ =	sdelay $0x4  }
0x274: {  	v53 =	vshll.u32 v3, $0x1  }
0x275: {  	v3 =	vand.u32 $0x7, v3;
	v4 =	vand.u32 $0xFFFFFFF0, v53  }
0x276: {  	v3 =	vor.u32 v3, v4  }
0x277: {  	v4 =	vperm.xlane v3, v0;
	_ =	sdelay $0x1  }
0x278: {  	v3 =	vperm.xlane v3, v2;
	v4 =	vadd.s32 v1, v4;
	_ =	sdelay $0x1  }
0x279: {  	v3 =	vadd.s32 v1, v3;
	_ =	sdelay $0x1  }
0x27a: {  	s9 =	simm.s32 $0x5000  }
0x27b: {  	[tilespmem:s9], [sflag:$0x1] =	stream.indirect_vreg.gather [hbm4b:s4+s2], $0x80, v4, vm0, $0xb8;
	[tilespmem:$0x10400] =	vst v63  }
0x27c: {  	s15 =	simm.s32 $0x5800  }
0x27d: {  	[tilespmem:s15], [sflag:$0x1] =	stream.indirect_vreg.gather [hbm4b:s4+s2], $0x80, v3, vm0, $0xb8;
	[tilespmem:$0x10400] =	vst v63  }
0x27e: {  	v3 =	vld [tilespmem:$0x10360];
	_ =	sdelay $0x4  }
0x27f: {  	v54 =	vshll.u32 v3, $0x1  }
0x280: {  	v3 =	vand.u32 $0x7, v3;
	v4 =	vand.u32 $0xFFFFFFF0, v54  }
0x281: {  	v3 =	vor.u32 v3, v4  }
0x282: {  	v4 =	vperm.xlane v3, v0;
	_ =	sdelay $0x1  }
0x283: {  	v3 =	vperm.xlane v3, v2;
	v4 =	vadd.s32 v1, v4;
	_ =	sdelay $0x1  }
0x284: {  	v3 =	vadd.s32 v1, v3;
	_ =	sdelay $0x1  }
0x285: {  	s16 =	simm.s32 $0x6000  }
0x286: {  	[tilespmem:s16], [sflag:$0x1] =	stream.indirect_vreg.gather [hbm4b:s4+s2], $0x80, v4, vm0, $0xb8;
	[tilespmem:$0x10400] =	vst v63  }
0x287: {  	s17 =	simm.s32 $0x6800  }
0x288: {  	[tilespmem:s17], [sflag:$0x1] =	stream.indirect_vreg.gather [hbm4b:s4+s2], $0x80, v3, vm0, $0xb8;
	[tilespmem:$0x10400] =	vst v63  }
0x289: {  	v3 =	vld [tilespmem:$0x10370];
	_ =	sdelay $0x4  }
0x28a: {  	v55 =	vshll.u32 v3, $0x1  }
0x28b: {  	v3 =	vand.u32 $0x7, v3;
	v4 =	vand.u32 $0xFFFFFFF0, v55  }
0x28c: {  	v3 =	vor.u32 v3, v4  }
0x28d: {  	v4 =	vperm.xlane v3, v0;
	_ =	sdelay $0x1  }
0x28e: {  	v3 =	vperm.xlane v3, v2;
	v4 =	vadd.s32 v1, v4;
	_ =	sdelay $0x1  }
0x28f: {  	v3 =	vadd.s32 v1, v3;
	_ =	sdelay $0x1  }
0x290: {  	s18 =	simm.s32 $0x7000  }
0x291: {  	[tilespmem:s18], [sflag:$0x1] =	stream.indirect_vreg.gather [hbm4b:s4+s2], $0x80, v4, vm0, $0xb8;
	[tilespmem:$0x10400] =	vst v63  }
0x292: {  	s19 =	simm.s32 $0x7800  }
0x293: {  	[tilespmem:s19], [sflag:$0x1] =	stream.indirect_vreg.gather [hbm4b:s4+s2], $0x80, v3, vm0, $0xb8;
	[tilespmem:$0x10400] =	vst v63  }
0x294: {  	_ =	swait.ge [sflag:s12], $0x8000  }
0x295: {  	[sflag:s12] =	ssyncset.done $0x0  }
0x296: {  	s19 =	rddreg [dreg:$0x8];
	[sflag:s12] =	ssyncadd.s32 $0xFFFF8000  }
0x297: {  	[hbm4b:s19+s2] =	stream.linear.scatter [tilespmem:s25], [sflag:$0x4], $0x8000, $0x38;
	[tilespmem:$0x10400] =	vst v63  }
0x298: {  	_ =	swait.ge [sflag:s13], $0x8000  }
0x299: {  	[sflag:s13] =	ssyncset.done $0x0  }
0x29a: {  	[sflag:s13] =	ssyncadd.s32 $0xFFFF8000  }
0x29b: {  	v3 =	vld [tilespmem:$0x10380];
	_ =	sdelay $0x4  }
0x29c: {  	v56 =	vshll.u32 v3, $0x1  }
0x29d: {  	v3 =	vand.u32 $0x7, v3;
	v4 =	vand.u32 $0xFFFFFFF0, v56  }
0x29e: {  	v3 =	vor.u32 v3, v4  }
0x29f: {  	v4 =	vperm.xlane v3, v0;
	_ =	sdelay $0x1  }
0x2a0: {  	v3 =	vperm.xlane v3, v2;
	v4 =	vadd.s32 v1, v4;
	_ =	sdelay $0x1  }
0x2a1: {  	v3 =	vadd.s32 v1, v3;
	_ =	sdelay $0x2  }
0x2a2: {  	[tilespmem:s25], [sflag:$0x2] =	stream.indirect_vreg.gather [hbm4b:s4+s2], $0x80, v4, vm0, $0xb8;
	[tilespmem:$0x10400] =	vst v63  }
0x2a3: {  	s22 =	simm.s32 $0x8800  }
0x2a4: {  	[tilespmem:s22], [sflag:$0x2] =	stream.indirect_vreg.gather [hbm4b:s4+s2], $0x80, v3, vm0, $0xb8;
	[tilespmem:$0x10400] =	vst v63  }
0x2a5: {  	v3 =	vld [tilespmem:$0x10390];
	_ =	sdelay $0x4  }
0x2a6: {  	v57 =	vshll.u32 v3, $0x1  }
0x2a7: {  	v3 =	vand.u32 $0x7, v3;
	v4 =	vand.u32 $0xFFFFFFF0, v57  }
0x2a8: {  	v3 =	vor.u32 v3, v4  }
0x2a9: {  	v4 =	vperm.xlane v3, v0;
	_ =	sdelay $0x1  }
0x2aa: {  	v3 =	vperm.xlane v3, v2;
	v4 =	vadd.s32 v1, v4;
	_ =	sdelay $0x1  }
0x2ab: {  	v3 =	vadd.s32 v1, v3;
	_ =	sdelay $0x1  }
0x2ac: {  	s0 =	simm.s32 $0x9000  }
0x2ad: {  	[tilespmem:s0], [sflag:$0x2] =	stream.indirect_vreg.gather [hbm4b:s4+s2], $0x80, v4, vm0, $0xb8;
	[tilespmem:$0x10400] =	vst v63  }
0x2ae: {  	s3 =	simm.s32 $0x9800  }
0x2af: {  	[tilespmem:s3], [sflag:$0x2] =	stream.indirect_vreg.gather [hbm4b:s4+s2], $0x80, v3, vm0, $0xb8;
	[tilespmem:$0x10400] =	vst v63  }
0x2b0: {  	v3 =	vld [tilespmem:$0x103A0];
	_ =	sdelay $0x4  }
0x2b1: {  	v58 =	vshll.u32 v3, $0x1  }
0x2b2: {  	v3 =	vand.u32 $0x7, v3;
	v4 =	vand.u32 $0xFFFFFFF0, v58  }
0x2b3: {  	v3 =	vor.u32 v3, v4  }
0x2b4: {  	v4 =	vperm.xlane v3, v0;
	_ =	sdelay $0x1  }
0x2b5: {  	v3 =	vperm.xlane v3, v2;
	v4 =	vadd.s32 v1, v4;
	_ =	sdelay $0x1  }
0x2b6: {  	v3 =	vadd.s32 v1, v3;
	_ =	sdelay $0x1  }
0x2b7: {  	s1 =	simm.s32 $0xA000  }
0x2b8: {  	[tilespmem:s1], [sflag:$0x2] =	stream.indirect_vreg.gather [hbm4b:s4+s2], $0x80, v4, vm0, $0xb8;
	[tilespmem:$0x10400] =	vst v63  }
0x2b9: {  	s6 =	simm.s32 $0xA800  }
0x2ba: {  	[tilespmem:s6], [sflag:$0x2] =	stream.indirect_vreg.gather [hbm4b:s4+s2], $0x80, v3, vm0, $0xb8;
	[tilespmem:$0x10400] =	vst v63  }
0x2bb: {  	v3 =	vld [tilespmem:$0x103B0];
	_ =	sdelay $0x4  }
0x2bc: {  	v59 =	vshll.u32 v3, $0x1  }
0x2bd: {  	v3 =	vand.u32 $0x7, v3;
	v4 =	vand.u32 $0xFFFFFFF0, v59  }
0x2be: {  	v3 =	vor.u32 v3, v4  }
0x2bf: {  	v4 =	vperm.xlane v3, v0;
	_ =	sdelay $0x1  }
0x2c0: {  	v3 =	vperm.xlane v3, v2;
	v4 =	vadd.s32 v1, v4;
	_ =	sdelay $0x1  }
0x2c1: {  	v3 =	vadd.s32 v1, v3;
	_ =	sdelay $0x1  }
0x2c2: {  	s23 =	simm.s32 $0xB000  }
0x2c3: {  	[tilespmem:s23], [sflag:$0x2] =	stream.indirect_vreg.gather [hbm4b:s4+s2], $0x80, v4, vm0, $0xb8;
	[tilespmem:$0x10400] =	vst v63  }
0x2c4: {  	s23 =	simm.s32 $0xB800  }
0x2c5: {  	[tilespmem:s23], [sflag:$0x2] =	stream.indirect_vreg.gather [hbm4b:s4+s2], $0x80, v3, vm0, $0xb8;
	[tilespmem:$0x10400] =	vst v63  }
0x2c6: {  	v3 =	vld [tilespmem:$0x103C0];
	_ =	sdelay $0x4  }
0x2c7: {  	v60 =	vshll.u32 v3, $0x1  }
0x2c8: {  	v3 =	vand.u32 $0x7, v3;
	v4 =	vand.u32 $0xFFFFFFF0, v60  }
0x2c9: {  	v3 =	vor.u32 v3, v4  }
0x2ca: {  	v4 =	vperm.xlane v3, v0;
	_ =	sdelay $0x1  }
0x2cb: {  	v3 =	vperm.xlane v3, v2;
	v4 =	vadd.s32 v1, v4;
	_ =	sdelay $0x1  }
0x2cc: {  	v3 =	vadd.s32 v1, v3;
	_ =	sdelay $0x1  }
0x2cd: {  	s28 =	simm.s32 $0xC000  }
0x2ce: {  	[tilespmem:s28], [sflag:$0x2] =	stream.indirect_vreg.gather [hbm4b:s4+s2], $0x80, v4, vm0, $0xb8;
	[tilespmem:$0x10400] =	vst v63  }
0x2cf: {  	s24 =	simm.s32 $0xC800  }
0x2d0: {  	[tilespmem:s24], [sflag:$0x2] =	stream.indirect_vreg.gather [hbm4b:s4+s2], $0x80, v3, vm0, $0xb8;
	[tilespmem:$0x10400] =	vst v63  }
0x2d1: {  	v3 =	vld [tilespmem:$0x103D0];
	_ =	sdelay $0x4  }
0x2d2: {  	v61 =	vshll.u32 v3, $0x1  }
0x2d3: {  	v3 =	vand.u32 $0x7, v3;
	v4 =	vand.u32 $0xFFFFFFF0, v61  }
0x2d4: {  	v3 =	vor.u32 v3, v4  }
0x2d5: {  	v4 =	vperm.xlane v3, v0;
	_ =	sdelay $0x1  }
0x2d6: {  	v3 =	vperm.xlane v3, v2;
	v4 =	vadd.s32 v1, v4;
	_ =	sdelay $0x1  }
0x2d7: {  	v3 =	vadd.s32 v1, v3;
	_ =	sdelay $0x1  }
0x2d8: {  	s28 =	simm.s32 $0xD000  }
0x2d9: {  	[tilespmem:s28], [sflag:$0x2] =	stream.indirect_vreg.gather [hbm4b:s4+s2], $0x80, v4, vm0, $0xb8;
	[tilespmem:$0x10400] =	vst v63  }
0x2da: {  	s29 =	simm.s32 $0xD800  }
0x2db: {  	[tilespmem:s29], [sflag:$0x2] =	stream.indirect_vreg.gather [hbm4b:s4+s2], $0x80, v3, vm0, $0xb8;
	[tilespmem:$0x10400] =	vst v63  }
0x2dc: {  	v3 =	vld [tilespmem:$0x103E0];
	_ =	sdelay $0x4  }
0x2dd: {  	v62 =	vshll.u32 v3, $0x1  }
0x2de: {  	v3 =	vand.u32 $0x7, v3;
	v4 =	vand.u32 $0xFFFFFFF0, v62  }
0x2df: {  	v3 =	vor.u32 v3, v4  }
0x2e0: {  	v4 =	vperm.xlane v3, v0;
	_ =	sdelay $0x1  }
0x2e1: {  	v3 =	vperm.xlane v3, v2;
	v4 =	vadd.s32 v1, v4;
	_ =	sdelay $0x1  }
0x2e2: {  	v3 =	vadd.s32 v1, v3;
	_ =	sdelay $0x1  }
0x2e3: {  	s30 =	simm.s32 $0xE000  }
0x2e4: {  	[tilespmem:s30], [sflag:$0x2] =	stream.indirect_vreg.gather [hbm4b:s4+s2], $0x80, v4, vm0, $0xb8;
	[tilespmem:$0x10400] =	vst v63  }
0x2e5: {  	s20 =	simm.s32 $0xE800  }
0x2e6: {  	[tilespmem:s20], [sflag:$0x2] =	stream.indirect_vreg.gather [hbm4b:s4+s2], $0x80, v3, vm0, $0xb8;
	[tilespmem:$0x10400] =	vst v63  }
0x2e7: {  	v3 =	vld [tilespmem:$0x103F0];
	_ =	sdelay $0x4  }
0x2e8: {  	v63 =	vshll.u32 v3, $0x1  }
0x2e9: {  	v3 =	vand.u32 $0x7, v3;
	v4 =	vand.u32 $0xFFFFFFF0, v63  }
0x2ea: {  	v3 =	vor.u32 v3, v4  }
0x2eb: {  	v4 =	vperm.xlane v3, v0;
	_ =	sdelay $0x1  }
0x2ec: {  	v3 =	vperm.xlane v3, v2;
	v4 =	vadd.s32 v1, v4;
	_ =	sdelay $0x1  }
0x2ed: {  	v3 =	vadd.s32 v1, v3;
	_ =	sdelay $0x1  }
0x2ee: {  	s21 =	simm.s32 $0xF000  }
0x2ef: {  	[tilespmem:s21], [sflag:$0x2] =	stream.indirect_vreg.gather [hbm4b:s4+s2], $0x80, v4, vm0, $0xb8;
	[tilespmem:$0x10400] =	vst v63  }
0x2f0: {  	s26 =	simm.s32 $0xF800  }
0x2f1: {  	[tilespmem:s26], [sflag:$0x2] =	stream.indirect_vreg.gather [hbm4b:s4+s2], $0x80, v3, vm0, $0xb8;
	[tilespmem:$0x10400] =	vst v63  }
0x2f2: {  	_ =	swait.ge [sflag:s10], $0x8000  }
0x2f3: {  	[sflag:s10] =	ssyncset.done $0x0  }
0x2f4: {  	s30 =	rddreg [dreg:$0x9];
	[sflag:s10] =	ssyncadd.s32 $0xFFFF8000  }
0x2f5: {  	[hbm4b:s30+s2] =	stream.linear.scatter [tilespmem:s2], [sflag:$0x3], $0x8000, $0x38;
	[tilespmem:$0x10400] =	vst v63  }
0x2f6: {  	_ =	swait.ge [sflag:s12], $0x8000  }
0x2f7: {  	[sflag:s12] =	ssyncset.done $0x0  }
0x2f8: {  	s31 =	rddreg [dreg:$0xa];
	[sflag:s12] =	ssyncadd.s32 $0xFFFF8000  }
0x2f9: {  	[hbm4b:s31+s2] =	stream.linear.scatter [tilespmem:s25], [sflag:$0x4], $0x8000, $0x38;
	[tilespmem:$0x10400] =	vst v63  }
0x2fa: {  	p0 =	sne.s32 s5, $0x1;
	_ =	swait.ge [sflag:s11], $0x8000  }
.Ltmp0:
0x2fb: {  	[sflag:s11] =	ssyncset.done $0x0;
	(pc) =	sbr.rel @p0 .LBB2_1-.Ltmp0, $4  }
0x2fc: {  	[sflag:s11] =	ssyncadd.s32 $0xFFFF8000  }
0x2fd: {  	_ =	swait.ge [sflag:s13], $0x8000  }
0x2fe: {  	[sflag:s13] =	ssyncset.done $0x0  }
0x2ff: {  	s5 =	sadd.s32 $0xFFFFFFFF, s5;
	[sflag:s13] =	ssyncadd.s32 $0xFFFF8000  }
0x300: {  	_ =	sfence.sel $0x180000  }
0x301: {  	[bflag:$0x0] =	sbarrier.arrive $0xFFFF  }
0x302: {  	_ =	strace $0x90000047  }
0x303: {  	s0 =	stileid.u32;
	[bflag:$0x2] =	sbarrier.arrive $0xFFFF  }
0x304: {  	p0 =	sne.s32 s0, $0x0;
	s0 =	rddreg [dreg:$0x2]  }
0x305: {  	s0 =	sadd.s32 @!p0 $0x100000, s0  }
0x306: {  	[sflag:s0] =	ssyncadd.tile.s32 @!p0 $0x1;
	_ =	shalt  }
.Lfunc_end2:
_tile_overlayer_lowered:
.L_overlay_start_2:
0x307: {  	(tag) =	ssettag $0x2  }
0x308: {  	s0 =	rddreg [dreg:$0x0];
	s2 =	stileid.u32  }
0x309: {  	s1 =	rddreg [dreg:$0x1];
	p0 =	sne.s32 s2, $0x0  }
0x30a: {  	s3 =	rddreg [dreg:$0x2];
	[bflag:$0x3] =	sbarrier.arrive $0xFFFF;
	s2 =	simm.s32 @!p0 $0x1C05  }
0x30b: {  	[timem:s3], [sflag:s2] =	dma.local @!p0 [hbm:s0], s1  }
0x30c: {  	s0 =	simm.s32 @!p0 $0x5  }
0x30d: {  	_ =	swait.ge @!p0 [sflag:s0], s1  }
0x30e: {  	s1 =	ssub.s32 @!p0 $0x0, s1;
	[sflag:s0] =	ssyncset.done @!p0 $0x0  }
0x30f: {  	[sflag:s0] =	ssyncadd.s32 @!p0 s1  }
0x310: {  	[bflag:$0x3] =	sbarrier.arrive $0xFFFF  }
0x311: {  	_ =	shalt  }

</sc_bundles>
